<compile_context>
chip_gen: v7x
topology: tpu7x:2x2x1
jax: 0.10.2.dev20260603
libtpu: 0.0.44.dev20260713+nightly
codegen_flags: <defaults>
</compile_context>

<pallas_src>
import functools

import jax
import jax.numpy as jnp
from jax import lax
from jax.experimental import pallas as pl
from jax.experimental.pallas import tpu as pltpu
from jax.experimental.pallas import tpu_sc as plsc

_B = 2
_N = 6
_NIMG = _B * _N
_H = 224
_W = 224
_C = 16
_NPIX = _H * _W
_TH = 256
_TW = 256
_NPTS = _TH * _TW
_NC = 2
_NS = 16
_NWORK = _NC * _NS
_PTSW = _NPTS // _NWORK
_CHUNK = 512
_NCHUNK = _PTSW // _CHUNK
_NGRP = _CHUNK // 16


def _bf16r(v):
    u = lax.bitcast_convert_type(v, jnp.int32)
    r = (u + 0x7FFF + ((u >> 16) & 1)) & jnp.int32(-65536)
    return lax.bitcast_convert_type(r, jnp.float32)


def _ipm_body(tab_hbm, coef_hbm, gx_hbm, gy_hbm, out_hbm,
              coef_v, gx_v, gy_v, idx_v, w_v, rows_v, mx_v, sem):
    wid = lax.axis_index("s") * _NC + lax.axis_index("c")
    pltpu.sync_copy(coef_hbm, coef_v)
    pltpu.sync_copy(gx_hbm, gx_v)
    pltpu.sync_copy(gy_hbm, gy_v)
    row_base = wid * (_PTSW // _TW)

    def outer(t, carry):
        b = t // (_NCHUNK * _N)
        chunk = (t // _N) % _NCHUNK
        n = t % _N
        i = b * _N + n
        img_off = i * _NPIX
        crow = row_base + chunk * 2
        pbase = wid * _PTSW + chunk * _CHUNK

        cA = coef_v[i, 0]
        ay0, ay1, ay2 = cA[0], cA[1], cA[2]
        ax0, ax1, ax2 = cA[3], cA[4], cA[5]
        az0 = cA[6] * cA[9]
        az1 = cA[7] * cA[9]
        az2 = cA[8] * cA[9]
        cB = coef_v[i, 1]

        def grp(gi, c2):
            r = crow + (gi >> 4)
            col0 = (gi & 15) * 16
            xs = gx_v[col0 >> 4]
            ys = gy_v[r]
            pb0 = _bf16r(ay0 * ys + ax0 * xs + az0)
            pb1 = _bf16r(ay1 * ys + ax1 * xs + az1)
            pb2 = _bf16r(ay2 * ys + ax2 * xs + az2)
            uv = cB[0] * pb0 + cB[1] * pb1 + cB[2] * pb2 + cB[3]
            vv = cB[4] * pb0 + cB[5] * pb1 + cB[6] * pb2 + cB[7]
            wv = cB[8] * pb0 + cB[9] * pb1 + cB[10] * pb2 + cB[11] + 1e-07
            px = uv / wv
            py = vv / wv
            pxs = jnp.minimum(jnp.maximum(px, -4.0), 228.0)
            pys = jnp.minimum(jnp.maximum(py, -4.0), 228.0)
            xt = pxs.astype(jnp.int32)
            yt = pys.astype(jnp.int32)
            x0 = jnp.where(xt.astype(jnp.float32) > pxs, xt - 1, xt)
            y0 = jnp.where(yt.astype(jnp.float32) > pys, yt - 1, yt)
            x1 = x0 + 1
            y1 = y0 + 1
            x0c = jnp.minimum(jnp.maximum(x0, 0), _W - 1)
            x1c = jnp.minimum(jnp.maximum(x1, 0), _W - 1)
            y0c = jnp.minimum(jnp.maximum(y0, 0), _H - 1)
            y1c = jnp.minimum(jnp.maximum(y1, 0), _H - 1)
            x0f = x0c.astype(jnp.float32)
            x1f = x1c.astype(jnp.float32)
            y0f = y0c.astype(jnp.float32)
            y1f = y1c.astype(jnp.float32)
            wx0 = x1f - px
            wx1 = px - x0f
            wy0 = y1f - py
            wy1 = py - y0f
            pos0 = gi * 16
            w_v[0, pl.ds(pos0, 16)] = wx0 * wy0
            w_v[1, pl.ds(pos0, 16)] = wx0 * wy1
            w_v[2, pl.ds(pos0, 16)] = wx1 * wy0
            w_v[3, pl.ds(pos0, 16)] = wx1 * wy1
            base0 = y0c * _W + img_off
            base1 = y1c * _W + img_off
            i00 = base0 + x0c
            i01 = base1 + x0c
            i10 = base0 + x1c
            i11 = base1 + x1c
            for s, iv in ((0, i00), (1, i01), (2, i10), (3, i11)):
                flat = s * _CHUNK + pos0
                idx_v[flat >> 7, pl.ds(flat & 127, 16)] = iv
            return c2

        lax.fori_loop(0, _NGRP, grp, 0)
        for k in range(16):
            pltpu.async_copy(tab_hbm.at[idx_v.at[k]],
                             rows_v.at[pl.ds(k * 128, 128)], sem)
        pltpu.make_async_copy(tab_hbm.at[pl.ds(0, 4 * _CHUNK)], rows_v,
                              sem).wait()

        first = n == 0

        def blend(jb, c2):
            j0 = jb * 16
            w0 = w_v[0, pl.ds(j0, 16)]
            w1 = w_v[1, pl.ds(j0, 16)]
            w2 = w_v[2, pl.ds(j0, 16)]
            w3 = w_v[3, pl.ds(j0, 16)]
            for l in range(16):
                j = j0 + l
                acc = (w0[l] * rows_v[j]
                       + w1[l] * rows_v[_CHUNK + j]
                       + w2[l] * rows_v[2 * _CHUNK + j]
                       + w3[l] * rows_v[3 * _CHUNK + j])
                mx_v[j] = jnp.where(first, acc, jnp.maximum(mx_v[j], acc))
            return c2

        lax.fori_loop(0, _CHUNK // 16, blend, 0)

        @pl.when(n == _N - 1)
        def _():
            pltpu.sync_copy(mx_v, out_hbm.at[b, pl.ds(pbase, _CHUNK)])

        return carry

    lax.fori_loop(0, _B * _NCHUNK * _N, outer, 0)


_ipm_call = pl.kernel(
    _ipm_body,
    out_type=jax.ShapeDtypeStruct((_B, _NPTS, _C), jnp.float32),
    mesh=plsc.VectorSubcoreMesh(core_axis_name="c", subcore_axis_name="s",
                                num_cores=_NC, num_subcores=_NS),
    compiler_params=pltpu.CompilerParams(use_tc_tiling_on_sc=False),
    scratch_types=[
        pltpu.VMEM((_NIMG, 2, 16), jnp.float32),
        pltpu.VMEM((16, 16), jnp.float32),
        pltpu.VMEM((_TH, 16), jnp.float32),
        pltpu.VMEM((16, 128), jnp.int32),
        pltpu.VMEM((4, _CHUNK), jnp.float32),
        pltpu.VMEM((4 * _CHUNK, _C), jnp.float32),
        pltpu.VMEM((_CHUNK, _C), jnp.float32),
        pltpu.SemaphoreType.DMA,
    ],
)


def _rotation_from_euler(rolls, pitchs, yaws):
    si, sj, sk = (jnp.sin(jnp.deg2rad(rolls)), jnp.sin(jnp.deg2rad(pitchs)),
                  jnp.sin(jnp.deg2rad(yaws)))
    ci, cj, ck = (jnp.cos(jnp.deg2rad(rolls)), jnp.cos(jnp.deg2rad(pitchs)),
                  jnp.cos(jnp.deg2rad(yaws)))
    cc, cs = ci * ck, ci * sk
    sc, ss = si * ck, si * sk
    z = jnp.zeros_like(si)
    o = jnp.ones_like(si)
    row0 = jnp.stack([cj * ck, sj * sc - cs, sj * cc + ss, z], axis=-1)
    row1 = jnp.stack([cj * sk, sj * ss + cc, sj * cs - sc, z], axis=-1)
    row2 = jnp.stack([-sj, cj * si, cj * ci, z], axis=-1)
    row3 = jnp.stack([z, z, z, o], axis=-1)
    return jnp.stack([row0, row1, row2, row3], axis=1)


def _b16(a):
    u = lax.bitcast_convert_type(a, jnp.int32)
    r = (u + 0x7FFF + ((u >> 16) & 1)) & jnp.int32(-65536)
    return lax.bitcast_convert_type(r, jnp.float32)


@jax.jit
def kernel(images, Ks, RTs, zs, yaws, rolls, pitchs, post_RTs):
    Rb = _b16(_rotation_from_euler(rolls, pitchs, yaws))
    Pb = _b16((post_RTs @ (Ks @ RTs)).reshape(_NIMG, 4, 4))
    zb = _b16(zs)
    rep = jnp.arange(_NIMG) % _B
    ay = Rb[rep][:, 0:3, 0]
    ax = Rb[rep][:, 0:3, 1]
    rz = Rb[rep][:, 0:3, 2]
    cA = jnp.concatenate([ay, ax, rz, zb[rep][:, None],
                          jnp.zeros((_NIMG, 6), jnp.float32)], axis=1)
    cB = jnp.concatenate([Pb[:, 0:3, :].reshape(_NIMG, 12),
                          jnp.zeros((_NIMG, 4), jnp.float32)], axis=1)
    coef = jnp.stack([cA, cB], axis=1)
    grid = _b16(jnp.linspace(-32.0, 32.0, _TW, dtype=jnp.float32))
    gx = grid.reshape(16, 16)
    gy = jnp.tile(grid[:, None], (1, 16))
    tab = jnp.transpose(images, (0, 1, 3, 4, 2)).reshape(_NIMG * _NPIX, _C)
    out = _ipm_call(tab, coef, gx, gy)
    return jnp.transpose(out.reshape(_B, _TH, _TW, _C), (0, 3, 1, 2))

# --- scband reference (transcript-rebuilt; emitter-appended) ---
"""Pipeline reference for scband-ipm-13400297963831 (READ-ONLY COPY).

The authoritative reference and input builder live on the scoring server;
editing this copy changes nothing except your own understanding.
"""

import jax, jax.numpy as jnp
import numpy as np

XBOUND = (-32.0, 32.0, 0.25)
YBOUND = (-32.0, 32.0, 0.25)
N_CAM = 6
TARGET_W = int((XBOUND[1] - XBOUND[0]) / XBOUND[2])
TARGET_H = int((YBOUND[1] - YBOUND[0]) / YBOUND[2])


def rotation_from_euler(rolls, pitchs, yaws):
    si, sj, sk = jnp.sin(jnp.deg2rad(rolls)), jnp.sin(jnp.deg2rad(pitchs)), jnp.sin(jnp.deg2rad(yaws))
    ci, cj, ck = jnp.cos(jnp.deg2rad(rolls)), jnp.cos(jnp.deg2rad(pitchs)), jnp.cos(jnp.deg2rad(yaws))
    cc, cs = ci * ck, ci * sk
    sc, ss = si * ck, si * sk
    z = jnp.zeros_like(si)
    o = jnp.ones_like(si)
    row0 = jnp.stack([cj * ck, sj * sc - cs, sj * cc + ss, z], axis=-1)
    row1 = jnp.stack([cj * sk, sj * ss + cc, sj * cs - sc, z], axis=-1)
    row2 = jnp.stack([-sj, cj * si, cj * ci, z], axis=-1)
    row3 = jnp.stack([z, z, z, o], axis=-1)
    return jnp.stack([row0, row1, row2, row3], axis=1)


def plane_grid(zs, yaws, rolls, pitchs):
    B = zs.shape[0]
    xmin, xmax = XBOUND[0], XBOUND[1]
    num_x = int((XBOUND[1] - XBOUND[0]) / XBOUND[2])
    ymin, ymax = YBOUND[0], YBOUND[1]
    num_y = int((YBOUND[1] - YBOUND[0]) / YBOUND[2])
    yl = jnp.linspace(xmin, xmax, num_x, dtype=jnp.float32)
    xl = jnp.linspace(ymin, ymax, num_y, dtype=jnp.float32)
    # torch: y, x = torch.meshgrid(x, y)  (default 'ij' indexing)
    gy, gx = jnp.meshgrid(xl, yl, indexing='ij')
    x = gx.reshape(-1)
    y = gy.reshape(-1)
    x = jnp.tile(x[None, :], (B, 1))
    y = jnp.tile(y[None, :], (B, 1))
    z = jnp.ones_like(x) * zs.reshape(-1, 1)
    d = jnp.ones_like(x)
    coords = jnp.stack([y, x, z, d], axis=1)  # [B, 4, npoints]
    R = rotation_from_euler(rolls, pitchs, yaws)
    return R @ coords


def perspective(cam_coords, proj_mat, h, w):
    eps = 1e-07
    pix = proj_mat @ cam_coords  # [N, 4, np]
    Nb = pix.shape[0]
    pix = pix[:, :2, :] / (pix[:, 2, :][:, None, :] + eps)
    pix = pix.reshape(Nb, 2, h, w)
    return jnp.transpose(pix, (0, 2, 3, 1))  # [N, h, w, 2]


def bilinear_sampler(imgs, pix_coords):
    B, img_h, img_w, img_c = imgs.shape
    _, ph, pw, _ = pix_coords.shape
    pix_x = pix_coords[..., 0:1]
    pix_y = pix_coords[..., 1:2]
    pix_x0 = jnp.floor(pix_x)
    pix_x1 = pix_x0 + 1
    pix_y0 = jnp.floor(pix_y)
    pix_y1 = pix_y0 + 1
    y_max = img_h - 1
    x_max = img_w - 1
    pix_x0 = jnp.clip(pix_x0, 0, x_max)
    pix_y0 = jnp.clip(pix_y0, 0, y_max)
    pix_x1 = jnp.clip(pix_x1, 0, x_max)
    pix_y1 = jnp.clip(pix_y1, 0, y_max)
    wt_x0 = pix_x1 - pix_x
    wt_x1 = pix_x - pix_x0
    wt_y0 = pix_y1 - pix_y
    wt_y1 = pix_y - pix_y0
    dim = img_w
    base_y0 = pix_y0 * dim
    base_y1 = pix_y1 * dim
    idx00 = (pix_x0 + base_y0).reshape(B, -1, 1).astype(jnp.int32)
    idx01 = (pix_x0 + base_y1).reshape(B, -1, 1).astype(jnp.int32)
    idx10 = (pix_x1 + base_y0).reshape(B, -1, 1).astype(jnp.int32)
    idx11 = (pix_x1 + base_y1).reshape(B, -1, 1).astype(jnp.int32)
    imgs_flat = imgs.reshape(B, -1, img_c)
    out_shape = (B, ph, pw, img_c)
    im00 = jnp.take_along_axis(imgs_flat, idx00, axis=1).reshape(out_shape)
    im01 = jnp.take_along_axis(imgs_flat, idx01, axis=1).reshape(out_shape)
    im10 = jnp.take_along_axis(imgs_flat, idx10, axis=1).reshape(out_shape)
    im11 = jnp.take_along_axis(imgs_flat, idx11, axis=1).reshape(out_shape)
    w00 = wt_x0 * wt_y0
    w01 = wt_x0 * wt_y1
    w10 = wt_x1 * wt_y0
    w11 = wt_x1 * wt_y1
    return w00 * im00 + w01 * im01 + w10 * im10 + w11 * im11


def ipm_forward(images, Ks, RTs, zs, yaws, rolls, pitchs, post_RTs):
    images = jnp.transpose(images, (0, 1, 3, 4, 2))  # [B, N, H, W, C]
    B, N, H, W, C = images.shape
    planes = plane_grid(zs, yaws, rolls, pitchs)  # [B, 4, np]
    planes = jnp.tile(planes, (N, 1, 1))  # [N*B, 4, np] (matches torch .repeat)
    images = images.reshape(B * N, H, W, C)
    P = Ks @ RTs
    if post_RTs is not None:
        P = post_RTs @ P
    P = P.reshape(-1, 4, 4)
    pixel_coords = perspective(planes, P, TARGET_H, TARGET_W)
    warped = bilinear_sampler(images, pixel_coords)
    warped = warped.reshape(B, N, TARGET_H, TARGET_W, C)
    topdown = jnp.max(warped, axis=1)
    return jnp.transpose(topdown, (0, 3, 1, 2))


def setup_inputs(seed: int = 0):
    key = jax.random.key(seed)
    ks = jax.random.split(key, 8)
    images = jax.random.normal(ks[0], (2, 6, 16, 224, 224), dtype=jnp.float32)
    Ks = jax.random.normal(ks[1], (2, 6, 4, 4), dtype=jnp.float32)
    RTs = jax.random.normal(ks[2], (2, 6, 4, 4), dtype=jnp.float32)
    zs = jax.random.uniform(ks[3], (2,), dtype=jnp.float32)
    yaws = jax.random.uniform(ks[4], (2,), dtype=jnp.float32)
    rolls = jax.random.uniform(ks[5], (2,), dtype=jnp.float32)
    pitchs = jax.random.uniform(ks[6], (2,), dtype=jnp.float32)
    post_RTs = jax.random.normal(ks[7], (4, 4), dtype=jnp.float32)
    return {"images": images, "Ks": Ks, "RTs": RTs, "zs": zs, "yaws": yaws, "rolls": rolls, "pitchs": pitchs, "post_RTs": post_RTs}


def reference(images, Ks, RTs, zs, yaws, rolls, pitchs, post_RTs):
    return ipm_forward(images, Ks, RTs, zs, yaws, rolls, pitchs, post_RTs)

if __name__ == "__main__":
    import jax
    _d = setup_inputs()
    print(jax.jit(kernel)(*tuple(_d.values())))

</pallas_src>

<mosaic_0001>
#map = affine_map<(d0, d1) -> (0, 0)>
#map1 = affine_map<(d0, d1) -> (0, 0, 0)>
module attributes {stable_mosaic.version = 14 : i64} {
  func.func @_ipm_body(%arg0: i32, %arg1: i32, %arg2: memref<602112x16xf32, #tpu.memory_space<hbm>>, %arg3: memref<12x2x16xf32, #tpu.memory_space<hbm>>, %arg4: memref<16x16xf32, #tpu.memory_space<hbm>>, %arg5: memref<256x16xf32, #tpu.memory_space<hbm>>, %arg6: memref<2x65536x16xf32, #tpu.memory_space<hbm>>, %arg7: memref<12x2x16xf32, #tpu.memory_space<vmem>>, %arg8: memref<16x16xf32, #tpu.memory_space<vmem>>, %arg9: memref<256x16xf32, #tpu.memory_space<vmem>>, %arg10: memref<16x128xi32, #tpu.memory_space<vmem>>, %arg11: memref<4x512xf32, #tpu.memory_space<vmem>>, %arg12: memref<2048x16xf32, #tpu.memory_space<vmem>>, %arg13: memref<512x16xf32, #tpu.memory_space<vmem>>, %arg14: memref<!tpu.dma_semaphore, #tpu.memory_space<semaphore_mem>>) attributes {dimension_semantics = [#tpu.dimension_semantics<core_parallel>, #tpu.dimension_semantics<subcore_parallel>], iteration_bounds = array<i64: 2, 16>, scalar_prefetch = 0 : i64, scratch_operands = 8 : i64, tpu.core_type = #tpu.core_type<sc_vector_subcore>, window_params = [{transform_indices = #map}, {transform_indices = #map1}, {transform_indices = #map}, {transform_indices = #map}, {transform_indices = #map1}]} {
    %mul3A = arith.constant 2 : i32
    %mul3A_0 = arith.muli %arg1, %mul3A : i32
    %add3A = arith.addi %mul3A_0, %arg0 : i32
    "tpu.region"() ({
      %run_scoped3A = tpu.sem_alloc : memref<!tpu.dma_semaphore, #tpu.memory_space<semaphore_mem>>
      tpu.enqueue_dma source(%arg3 : memref<12x2x16xf32, #tpu.memory_space<hbm>>) target(%arg7 : memref<12x2x16xf32, #tpu.memory_space<vmem>>) target_semaphore(%run_scoped3A : memref<!tpu.dma_semaphore, #tpu.memory_space<semaphore_mem>>)
      tpu.wait_dma2 semaphore(%run_scoped3A : memref<!tpu.dma_semaphore, #tpu.memory_space<semaphore_mem>>) src(%arg3 : memref<12x2x16xf32, #tpu.memory_space<hbm>>) dst(%arg7 : memref<12x2x16xf32, #tpu.memory_space<vmem>>)
      tpu.yield
    }) : () -> ()
    "tpu.region"() ({
      %run_scoped3A = tpu.sem_alloc : memref<!tpu.dma_semaphore, #tpu.memory_space<semaphore_mem>>
      tpu.enqueue_dma source(%arg4 : memref<16x16xf32, #tpu.memory_space<hbm>>) target(%arg8 : memref<16x16xf32, #tpu.memory_space<vmem>>) target_semaphore(%run_scoped3A : memref<!tpu.dma_semaphore, #tpu.memory_space<semaphore_mem>>)
      tpu.wait_dma2 semaphore(%run_scoped3A : memref<!tpu.dma_semaphore, #tpu.memory_space<semaphore_mem>>) src(%arg4 : memref<16x16xf32, #tpu.memory_space<hbm>>) dst(%arg8 : memref<16x16xf32, #tpu.memory_space<vmem>>)
      tpu.yield
    }) : () -> ()
    "tpu.region"() ({
      %run_scoped3A = tpu.sem_alloc : memref<!tpu.dma_semaphore, #tpu.memory_space<semaphore_mem>>
      tpu.enqueue_dma source(%arg5 : memref<256x16xf32, #tpu.memory_space<hbm>>) target(%arg9 : memref<256x16xf32, #tpu.memory_space<vmem>>) target_semaphore(%run_scoped3A : memref<!tpu.dma_semaphore, #tpu.memory_space<semaphore_mem>>)
      tpu.wait_dma2 semaphore(%run_scoped3A : memref<!tpu.dma_semaphore, #tpu.memory_space<semaphore_mem>>) src(%arg5 : memref<256x16xf32, #tpu.memory_space<hbm>>) dst(%arg9 : memref<256x16xf32, #tpu.memory_space<vmem>>)
      tpu.yield
    }) : () -> ()
    %mul3A_1 = arith.constant 8 : i32
    %mul3A_2 = arith.muli %add3A, %mul3A_1 : i32
    %scan3A = arith.constant 0 : i32
    %scan3A_3 = arith.constant 0 : i32
    %scan3A_4 = arith.constant 48 : i32
    %scan3A_5 = arith.addi %scan3A_3, %scan3A_4 : i32
    %scan3A_6 = arith.constant 1 : i32
    scf.for %scan3A_8 = %scan3A_3 to %scan3A_5 step %scan3A_6  : i32 {
      %jit3A = arith.constant 24 : i32
      %div3A = arith.divsi %scan3A_8, %jit3A : i32
      %sign3A = arith.constant 0 : i32
      %sign3A_9 = arith.cmpi sgt, %scan3A_8, %sign3A : i32
      %sign3A_10 = arith.extui %sign3A_9 : i1 to i32
      %sign3A_11 = arith.constant 0 : i32
      %sign3A_12 = arith.cmpi slt, %scan3A_8, %sign3A_11 : i32
      %sign3A_13 = arith.extui %sign3A_12 : i1 to i32
      %sign3A_14 = arith.subi %sign3A_10, %sign3A_13 : i32
      %sign3A_15 = arith.constant 0 : i32
      %sign3A_16 = arith.cmpi sgt, %jit3A, %sign3A_15 : i32
      %sign3A_17 = arith.extui %sign3A_16 : i1 to i32
      %sign3A_18 = arith.constant 0 : i32
      %sign3A_19 = arith.cmpi slt, %jit3A, %sign3A_18 : i32
      %sign3A_20 = arith.extui %sign3A_19 : i1 to i32
      %sign3A_21 = arith.subi %sign3A_17, %sign3A_20 : i32
      %ne3A = arith.cmpi ne, %sign3A_14, %sign3A_21 : i32
      %rem3A = arith.remsi %scan3A_8, %jit3A : i32
      %ne3A_22 = arith.constant 0 : i32
      %ne3A_23 = arith.cmpi ne, %rem3A, %ne3A_22 : i32
      %and3A = arith.andi %ne3A, %ne3A_23 : i1
      %sub3A = arith.constant 1 : i32
      %sub3A_24 = arith.subi %div3A, %sub3A : i32
      %select_n3A = arith.select %and3A, %sub3A_24, %div3A : i32
      %jit3A_25 = arith.constant 6 : i32
      %div3A_26 = arith.divsi %scan3A_8, %jit3A_25 : i32
      %sign3A_27 = arith.constant 0 : i32
      %sign3A_28 = arith.cmpi sgt, %scan3A_8, %sign3A_27 : i32
      %sign3A_29 = arith.extui %sign3A_28 : i1 to i32
      %sign3A_30 = arith.constant 0 : i32
      %sign3A_31 = arith.cmpi slt, %scan3A_8, %sign3A_30 : i32
      %sign3A_32 = arith.extui %sign3A_31 : i1 to i32
      %sign3A_33 = arith.subi %sign3A_29, %sign3A_32 : i32
      %sign3A_34 = arith.constant 0 : i32
      %sign3A_35 = arith.cmpi sgt, %jit3A_25, %sign3A_34 : i32
      %sign3A_36 = arith.extui %sign3A_35 : i1 to i32
      %sign3A_37 = arith.constant 0 : i32
      %sign3A_38 = arith.cmpi slt, %jit3A_25, %sign3A_37 : i32
      %sign3A_39 = arith.extui %sign3A_38 : i1 to i32
      %sign3A_40 = arith.subi %sign3A_36, %sign3A_39 : i32
      %ne3A_41 = arith.cmpi ne, %sign3A_33, %sign3A_40 : i32
      %rem3A_42 = arith.remsi %scan3A_8, %jit3A_25 : i32
      %ne3A_43 = arith.constant 0 : i32
      %ne3A_44 = arith.cmpi ne, %rem3A_42, %ne3A_43 : i32
      %and3A_45 = arith.andi %ne3A_41, %ne3A_44 : i1
      %sub3A_46 = arith.constant 1 : i32
      %sub3A_47 = arith.subi %div3A_26, %sub3A_46 : i32
      %select_n3A_48 = arith.select %and3A_45, %sub3A_47, %div3A_26 : i32
      %jit3A_49 = arith.constant 4 : i32
      %eq3A = arith.constant 0 : i32
      %eq3A_50 = arith.cmpi eq, %jit3A_49, %eq3A : i32
      %jit3A_51 = arith.constant 1 : i32
      %select_n3A_52 = arith.select %eq3A_50, %jit3A_51, %jit3A_49 : i32
      %rem3A_53 = arith.remsi %select_n3A_48, %select_n3A_52 : i32
      %ne3A_54 = arith.constant 0 : i32
      %ne3A_55 = arith.cmpi ne, %rem3A_53, %ne3A_54 : i32
      %lt3A = arith.constant 0 : i32
      %lt3A_56 = arith.cmpi slt, %rem3A_53, %lt3A : i32
      %lt3A_57 = arith.constant 0 : i32
      %lt3A_58 = arith.cmpi slt, %select_n3A_52, %lt3A_57 : i32
      %ne3A_59 = arith.xori %lt3A_56, %lt3A_58 : i1
      %and3A_60 = arith.andi %ne3A_59, %ne3A_55 : i1
      %add3A_61 = arith.addi %rem3A_53, %select_n3A_52 : i32
      %select_n3A_62 = arith.select %and3A_60, %add3A_61, %rem3A_53 : i32
      %jit3A_63 = arith.constant 6 : i32
      %eq3A_64 = arith.constant 0 : i32
      %eq3A_65 = arith.cmpi eq, %jit3A_63, %eq3A_64 : i32
      %jit3A_66 = arith.constant 1 : i32
      %select_n3A_67 = arith.select %eq3A_65, %jit3A_66, %jit3A_63 : i32
      %rem3A_68 = arith.remsi %scan3A_8, %select_n3A_67 : i32
      %ne3A_69 = arith.constant 0 : i32
      %ne3A_70 = arith.cmpi ne, %rem3A_68, %ne3A_69 : i32
      %lt3A_71 = arith.constant 0 : i32
      %lt3A_72 = arith.cmpi slt, %rem3A_68, %lt3A_71 : i32
      %lt3A_73 = arith.constant 0 : i32
      %lt3A_74 = arith.cmpi slt, %select_n3A_67, %lt3A_73 : i32
      %ne3A_75 = arith.xori %lt3A_72, %lt3A_74 : i1
      %and3A_76 = arith.andi %ne3A_75, %ne3A_70 : i1
      %add3A_77 = arith.addi %rem3A_68, %select_n3A_67 : i32
      %select_n3A_78 = arith.select %and3A_76, %add3A_77, %rem3A_68 : i32
      %mul3A_79 = arith.constant 6 : i32
      %mul3A_80 = arith.muli %select_n3A, %mul3A_79 : i32
      %add3A_81 = arith.addi %mul3A_80, %select_n3A_78 : i32
      %mul3A_82 = arith.constant 50176 : i32
      %mul3A_83 = arith.muli %add3A_81, %mul3A_82 : i32
      %mul3A_84 = arith.constant 2 : i32
      %mul3A_85 = arith.muli %select_n3A_62, %mul3A_84 : i32
      %add3A_86 = arith.addi %mul3A_2, %mul3A_85 : i32
      %mul3A_87 = arith.constant 2048 : i32
      %mul3A_88 = arith.muli %add3A, %mul3A_87 : i32
      %mul3A_89 = arith.constant 512 : i32
      %mul3A_90 = arith.muli %select_n3A_62, %mul3A_89 : i32
      %add3A_91 = arith.addi %mul3A_88, %mul3A_90 : i32
      %get3A = arith.constant 0 : i32
      %get3A_92 = arith.index_cast %add3A_81 : i32 to index
      %get3A_93 = arith.index_cast %get3A : i32 to index
      %get3A_94 = arith.constant 0 : index
      %get3A_95 = tpu.vector_load %arg7[%get3A_92, %get3A_93, %get3A_94] {strides = array<i32>} : memref<12x2x16xf32, #tpu.memory_space<vmem>>, vector<1x1x16xf32>,
      %get3A_96 = vector.shape_cast %get3A_95 : vector<1x1x16xf32> to vector<16xf32>
      %slice3A = vector.extract_strided_slice %get3A_96 {offsets = [0], sizes = [1], strides = [1]} : vector<16xf32> to vector<1xf32>
      %squeeze3A = vector.extract %slice3A[0] : f32 from vector<1xf32>
      %slice3A_97 = vector.extract_strided_slice %get3A_96 {offsets = [1], sizes = [1], strides = [1]} : vector<16xf32> to vector<1xf32>
      %squeeze3A_98 = vector.extract %slice3A_97[0] : f32 from vector<1xf32>
      %slice3A_99 = vector.extract_strided_slice %get3A_96 {offsets = [2], sizes = [1], strides = [1]} : vector<16xf32> to vector<1xf32>
      %squeeze3A_100 = vector.extract %slice3A_99[0] : f32 from vector<1xf32>
      %slice3A_101 = vector.extract_strided_slice %get3A_96 {offsets = [3], sizes = [1], strides = [1]} : vector<16xf32> to vector<1xf32>
      %squeeze3A_102 = vector.extract %slice3A_101[0] : f32 from vector<1xf32>
      %slice3A_103 = vector.extract_strided_slice %get3A_96 {offsets = [4], sizes = [1], strides = [1]} : vector<16xf32> to vector<1xf32>
      %squeeze3A_104 = vector.extract %slice3A_103[0] : f32 from vector<1xf32>
      %slice3A_105 = vector.extract_strided_slice %get3A_96 {offsets = [5], sizes = [1], strides = [1]} : vector<16xf32> to vector<1xf32>
      %squeeze3A_106 = vector.extract %slice3A_105[0] : f32 from vector<1xf32>
      %slice3A_107 = vector.extract_strided_slice %get3A_96 {offsets = [6], sizes = [1], strides = [1]} : vector<16xf32> to vector<1xf32>
      %squeeze3A_108 = vector.extract %slice3A_107[0] : f32 from vector<1xf32>
      %slice3A_109 = vector.extract_strided_slice %get3A_96 {offsets = [9], sizes = [1], strides = [1]} : vector<16xf32> to vector<1xf32>
      %squeeze3A_110 = vector.extract %slice3A_109[0] : f32 from vector<1xf32>
      %mul3A_111 = arith.mulf %squeeze3A_108, %squeeze3A_110 : f32
      %slice3A_112 = vector.extract_strided_slice %get3A_96 {offsets = [7], sizes = [1], strides = [1]} : vector<16xf32> to vector<1xf32>
      %squeeze3A_113 = vector.extract %slice3A_112[0] : f32 from vector<1xf32>
      %slice3A_114 = vector.extract_strided_slice %get3A_96 {offsets = [9], sizes = [1], strides = [1]} : vector<16xf32> to vector<1xf32>
      %squeeze3A_115 = vector.extract %slice3A_114[0] : f32 from vector<1xf32>
      %mul3A_116 = arith.mulf %squeeze3A_113, %squeeze3A_115 : f32
      %slice3A_117 = vector.extract_strided_slice %get3A_96 {offsets = [8], sizes = [1], strides = [1]} : vector<16xf32> to vector<1xf32>
      %squeeze3A_118 = vector.extract %slice3A_117[0] : f32 from vector<1xf32>
      %slice3A_119 = vector.extract_strided_slice %get3A_96 {offsets = [9], sizes = [1], strides = [1]} : vector<16xf32> to vector<1xf32>
      %squeeze3A_120 = vector.extract %slice3A_119[0] : f32 from vector<1xf32>
      %mul3A_121 = arith.mulf %squeeze3A_118, %squeeze3A_120 : f32
      %get3A_122 = arith.constant 1 : i32
      %get3A_123 = arith.index_cast %add3A_81 : i32 to index
      %get3A_124 = arith.index_cast %get3A_122 : i32 to index
      %get3A_125 = arith.constant 0 : index
      %get3A_126 = tpu.vector_load %arg7[%get3A_123, %get3A_124, %get3A_125] {strides = array<i32>} : memref<12x2x16xf32, #tpu.memory_space<vmem>>, vector<1x1x16xf32>,
      %get3A_127 = vector.shape_cast %get3A_126 : vector<1x1x16xf32> to vector<16xf32>
      %scan3A_128 = arith.constant 0 : i32
      %scan3A_129 = arith.constant 0 : i32
      %scan3A_130 = arith.constant 32 : i32
      %scan3A_131 = arith.addi %scan3A_129, %scan3A_130 : i32
      %scan3A_132 = arith.constant 1 : i32
      scf.for %scan3A_309 = %scan3A_129 to %scan3A_131 step %scan3A_132  : i32 {
        %shift_right_arithmetic3A = arith.constant 4 : i32
        %shift_right_arithmetic3A_310 = arith.shrsi %scan3A_309, %shift_right_arithmetic3A : i32
        %add3A_311 = arith.addi %add3A_86, %shift_right_arithmetic3A_310 : i32
        %and3A_312 = arith.constant 15 : i32
        %and3A_313 = arith.andi %scan3A_309, %and3A_312 : i32
        %mul3A_314 = arith.constant 16 : i32
        %mul3A_315 = arith.muli %and3A_313, %mul3A_314 : i32
        %shift_right_arithmetic3A_316 = arith.constant 4 : i32
        %shift_right_arithmetic3A_317 = arith.shrsi %mul3A_315, %shift_right_arithmetic3A_316 : i32
        %get3A_318 = arith.index_cast %shift_right_arithmetic3A_317 : i32 to index
        %get3A_319 = arith.constant 0 : index
        %get3A_320 = tpu.vector_load %arg8[%get3A_318, %get3A_319] {strides = array<i32>} : memref<16x16xf32, #tpu.memory_space<vmem>>, vector<1x16xf32>,
        %get3A_321 = vector.shape_cast %get3A_320 : vector<1x16xf32> to vector<16xf32>
        %get3A_322 = arith.index_cast %add3A_311 : i32 to index
        %get3A_323 = arith.constant 0 : index
        %get3A_324 = tpu.vector_load %arg9[%get3A_322, %get3A_323] {strides = array<i32>} : memref<256x16xf32, #tpu.memory_space<vmem>>, vector<1x16xf32>,
        %get3A_325 = vector.shape_cast %get3A_324 : vector<1x16xf32> to vector<16xf32>
        %mul3A_326 = vector.broadcast %squeeze3A : f32 to vector<16xf32>
        %mul3A_327 = arith.mulf %mul3A_326, %get3A_325 : vector<16xf32>
        %mul3A_328 = vector.broadcast %squeeze3A_102 : f32 to vector<16xf32>
        %mul3A_329 = arith.mulf %mul3A_328, %get3A_321 : vector<16xf32>
        %add3A_330 = arith.addf %mul3A_327, %mul3A_329 : vector<16xf32>
        %add3A_331 = vector.broadcast %mul3A_111 : f32 to vector<16xf32>
        %add3A_332 = arith.addf %add3A_330, %add3A_331 : vector<16xf32>
        %bitcast_convert_type3A = tpu.bitcast %add3A_332 : vector<16xf32> -> vector<16xi32>
        %add3A_333 = arith.constant 32767 : i32
        %add3A_334 = vector.broadcast %add3A_333 : i32 to vector<16xi32>
        %add3A_335 = arith.addi %bitcast_convert_type3A, %add3A_334 : vector<16xi32>
        %shift_right_arithmetic3A_336 = arith.constant 16 : i32
        %shift_right_arithmetic3A_337 = vector.broadcast %shift_right_arithmetic3A_336 : i32 to vector<16xi32>
        %shift_right_arithmetic3A_338 = arith.shrsi %bitcast_convert_type3A, %shift_right_arithmetic3A_337 : vector<16xi32>
        %and3A_339 = arith.constant 1 : i32
        %and3A_340 = vector.broadcast %and3A_339 : i32 to vector<16xi32>
        %and3A_341 = arith.andi %shift_right_arithmetic3A_338, %and3A_340 : vector<16xi32>
        %add3A_342 = arith.addi %add3A_335, %and3A_341 : vector<16xi32>
        %and3A_343 = arith.constant -65536 : i32
        %and3A_344 = vector.broadcast %and3A_343 : i32 to vector<16xi32>
        %and3A_345 = arith.andi %add3A_342, %and3A_344 : vector<16xi32>
        %bitcast_convert_type3A_346 = tpu.bitcast %and3A_345 : vector<16xi32> -> vector<16xf32>
        %mul3A_347 = vector.broadcast %squeeze3A_98 : f32 to vector<16xf32>
        %mul3A_348 = arith.mulf %mul3A_347, %get3A_325 : vector<16xf32>
        %mul3A_349 = vector.broadcast %squeeze3A_104 : f32 to vector<16xf32>
        %mul3A_350 = arith.mulf %mul3A_349, %get3A_321 : vector<16xf32>
        %add3A_351 = arith.addf %mul3A_348, %mul3A_350 : vector<16xf32>
        %add3A_352 = vector.broadcast %mul3A_116 : f32 to vector<16xf32>
        %add3A_353 = arith.addf %add3A_351, %add3A_352 : vector<16xf32>
        %bitcast_convert_type3A_354 = tpu.bitcast %add3A_353 : vector<16xf32> -> vector<16xi32>
        %add3A_355 = arith.constant 32767 : i32
        %add3A_356 = vector.broadcast %add3A_355 : i32 to vector<16xi32>
        %add3A_357 = arith.addi %bitcast_convert_type3A_354, %add3A_356 : vector<16xi32>
        %shift_right_arithmetic3A_358 = arith.constant 16 : i32
        %shift_right_arithmetic3A_359 = vector.broadcast %shift_right_arithmetic3A_358 : i32 to vector<16xi32>
        %shift_right_arithmetic3A_360 = arith.shrsi %bitcast_convert_type3A_354, %shift_right_arithmetic3A_359 : vector<16xi32>
        %and3A_361 = arith.constant 1 : i32
        %and3A_362 = vector.broadcast %and3A_361 : i32 to vector<16xi32>
        %and3A_363 = arith.andi %shift_right_arithmetic3A_360, %and3A_362 : vector<16xi32>
        %add3A_364 = arith.addi %add3A_357, %and3A_363 : vector<16xi32>
        %and3A_365 = arith.constant -65536 : i32
        %and3A_366 = vector.broadcast %and3A_365 : i32 to vector<16xi32>
        %and3A_367 = arith.andi %add3A_364, %and3A_366 : vector<16xi32>
        %bitcast_convert_type3A_368 = tpu.bitcast %and3A_367 : vector<16xi32> -> vector<16xf32>
        %mul3A_369 = vector.broadcast %squeeze3A_100 : f32 to vector<16xf32>
        %mul3A_370 = arith.mulf %mul3A_369, %get3A_325 : vector<16xf32>
        %mul3A_371 = vector.broadcast %squeeze3A_106 : f32 to vector<16xf32>
        %mul3A_372 = arith.mulf %mul3A_371, %get3A_321 : vector<16xf32>
        %add3A_373 = arith.addf %mul3A_370, %mul3A_372 : vector<16xf32>
        %add3A_374 = vector.broadcast %mul3A_121 : f32 to vector<16xf32>
        %add3A_375 = arith.addf %add3A_373, %add3A_374 : vector<16xf32>
        %bitcast_convert_type3A_376 = tpu.bitcast %add3A_375 : vector<16xf32> -> vector<16xi32>
        %add3A_377 = arith.constant 32767 : i32
        %add3A_378 = vector.broadcast %add3A_377 : i32 to vector<16xi32>
        %add3A_379 = arith.addi %bitcast_convert_type3A_376, %add3A_378 : vector<16xi32>
        %shift_right_arithmetic3A_380 = arith.constant 16 : i32
        %shift_right_arithmetic3A_381 = vector.broadcast %shift_right_arithmetic3A_380 : i32 to vector<16xi32>
        %shift_right_arithmetic3A_382 = arith.shrsi %bitcast_convert_type3A_376, %shift_right_arithmetic3A_381 : vector<16xi32>
        %and3A_383 = arith.constant 1 : i32
        %and3A_384 = vector.broadcast %and3A_383 : i32 to vector<16xi32>
        %and3A_385 = arith.andi %shift_right_arithmetic3A_382, %and3A_384 : vector<16xi32>
        %add3A_386 = arith.addi %add3A_379, %and3A_385 : vector<16xi32>
        %and3A_387 = arith.constant -65536 : i32
        %and3A_388 = vector.broadcast %and3A_387 : i32 to vector<16xi32>
        %and3A_389 = arith.andi %add3A_386, %and3A_388 : vector<16xi32>
        %bitcast_convert_type3A_390 = tpu.bitcast %and3A_389 : vector<16xi32> -> vector<16xf32>
        %slice3A_391 = vector.extract_strided_slice %get3A_127 {offsets = [0], sizes = [1], strides = [1]} : vector<16xf32> to vector<1xf32>
        %squeeze3A_392 = vector.extract %slice3A_391[0] : f32 from vector<1xf32>
        %mul3A_393 = vector.broadcast %squeeze3A_392 : f32 to vector<16xf32>
        %mul3A_394 = arith.mulf %mul3A_393, %bitcast_convert_type3A_346 : vector<16xf32>
        %slice3A_395 = vector.extract_strided_slice %get3A_127 {offsets = [1], sizes = [1], strides = [1]} : vector<16xf32> to vector<1xf32>
        %squeeze3A_396 = vector.extract %slice3A_395[0] : f32 from vector<1xf32>
        %mul3A_397 = vector.broadcast %squeeze3A_396 : f32 to vector<16xf32>
        %mul3A_398 = arith.mulf %mul3A_397, %bitcast_convert_type3A_368 : vector<16xf32>
        %add3A_399 = arith.addf %mul3A_394, %mul3A_398 : vector<16xf32>
        %slice3A_400 = vector.extract_strided_slice %get3A_127 {offsets = [2], sizes = [1], strides = [1]} : vector<16xf32> to vector<1xf32>
        %squeeze3A_401 = vector.extract %slice3A_400[0] : f32 from vector<1xf32>
        %mul3A_402 = vector.broadcast %squeeze3A_401 : f32 to vector<16xf32>
        %mul3A_403 = arith.mulf %mul3A_402, %bitcast_convert_type3A_390 : vector<16xf32>
        %add3A_404 = arith.addf %add3A_399, %mul3A_403 : vector<16xf32>
        %slice3A_405 = vector.extract_strided_slice %get3A_127 {offsets = [3], sizes = [1], strides = [1]} : vector<16xf32> to vector<1xf32>
        %squeeze3A_406 = vector.extract %slice3A_405[0] : f32 from vector<1xf32>
        %add3A_407 = vector.broadcast %squeeze3A_406 : f32 to vector<16xf32>
        %add3A_408 = arith.addf %add3A_404, %add3A_407 : vector<16xf32>
        %slice3A_409 = vector.extract_strided_slice %get3A_127 {offsets = [4], sizes = [1], strides = [1]} : vector<16xf32> to vector<1xf32>
        %squeeze3A_410 = vector.extract %slice3A_409[0] : f32 from vector<1xf32>
        %mul3A_411 = vector.broadcast %squeeze3A_410 : f32 to vector<16xf32>
        %mul3A_412 = arith.mulf %mul3A_411, %bitcast_convert_type3A_346 : vector<16xf32>
        %slice3A_413 = vector.extract_strided_slice %get3A_127 {offsets = [5], sizes = [1], strides = [1]} : vector<16xf32> to vector<1xf32>
        %squeeze3A_414 = vector.extract %slice3A_413[0] : f32 from vector<1xf32>
        %mul3A_415 = vector.broadcast %squeeze3A_414 : f32 to vector<16xf32>
        %mul3A_416 = arith.mulf %mul3A_415, %bitcast_convert_type3A_368 : vector<16xf32>
        %add3A_417 = arith.addf %mul3A_412, %mul3A_416 : vector<16xf32>
        %slice3A_418 = vector.extract_strided_slice %get3A_127 {offsets = [6], sizes = [1], strides = [1]} : vector<16xf32> to vector<1xf32>
        %squeeze3A_419 = vector.extract %slice3A_418[0] : f32 from vector<1xf32>
        %mul3A_420 = vector.broadcast %squeeze3A_419 : f32 to vector<16xf32>
        %mul3A_421 = arith.mulf %mul3A_420, %bitcast_convert_type3A_390 : vector<16xf32>
        %add3A_422 = arith.addf %add3A_417, %mul3A_421 : vector<16xf32>
        %slice3A_423 = vector.extract_strided_slice %get3A_127 {offsets = [7], sizes = [1], strides = [1]} : vector<16xf32> to vector<1xf32>
        %squeeze3A_424 = vector.extract %slice3A_423[0] : f32 from vector<1xf32>
        %add3A_425 = vector.broadcast %squeeze3A_424 : f32 to vector<16xf32>
        %add3A_426 = arith.addf %add3A_422, %add3A_425 : vector<16xf32>
        %slice3A_427 = vector.extract_strided_slice %get3A_127 {offsets = [8], sizes = [1], strides = [1]} : vector<16xf32> to vector<1xf32>
        %squeeze3A_428 = vector.extract %slice3A_427[0] : f32 from vector<1xf32>
        %mul3A_429 = vector.broadcast %squeeze3A_428 : f32 to vector<16xf32>
        %mul3A_430 = arith.mulf %mul3A_429, %bitcast_convert_type3A_346 : vector<16xf32>
        %slice3A_431 = vector.extract_strided_slice %get3A_127 {offsets = [9], sizes = [1], strides = [1]} : vector<16xf32> to vector<1xf32>
        %squeeze3A_432 = vector.extract %slice3A_431[0] : f32 from vector<1xf32>
        %mul3A_433 = vector.broadcast %squeeze3A_432 : f32 to vector<16xf32>
        %mul3A_434 = arith.mulf %mul3A_433, %bitcast_convert_type3A_368 : vector<16xf32>
        %add3A_435 = arith.addf %mul3A_430, %mul3A_434 : vector<16xf32>
        %slice3A_436 = vector.extract_strided_slice %get3A_127 {offsets = [10], sizes = [1], strides = [1]} : vector<16xf32> to vector<1xf32>
        %squeeze3A_437 = vector.extract %slice3A_436[0] : f32 from vector<1xf32>
        %mul3A_438 = vector.broadcast %squeeze3A_437 : f32 to vector<16xf32>
        %mul3A_439 = arith.mulf %mul3A_438, %bitcast_convert_type3A_390 : vector<16xf32>
        %add3A_440 = arith.addf %add3A_435, %mul3A_439 : vector<16xf32>
        %slice3A_441 = vector.extract_strided_slice %get3A_127 {offsets = [11], sizes = [1], strides = [1]} : vector<16xf32> to vector<1xf32>
        %squeeze3A_442 = vector.extract %slice3A_441[0] : f32 from vector<1xf32>
        %add3A_443 = vector.broadcast %squeeze3A_442 : f32 to vector<16xf32>
        %add3A_444 = arith.addf %add3A_440, %add3A_443 : vector<16xf32>
        %add3A_445 = arith.constant 1.000000e-07 : f32
        %add3A_446 = vector.broadcast %add3A_445 : f32 to vector<16xf32>
        %add3A_447 = arith.addf %add3A_444, %add3A_446 : vector<16xf32>
        %div3A_448 = arith.divf %add3A_408, %add3A_447 : vector<16xf32>
        %div3A_449 = arith.divf %add3A_426, %add3A_447 : vector<16xf32>
        %max3A = arith.constant -4.000000e+00 : f32
        %max3A_450 = vector.broadcast %max3A : f32 to vector<16xf32>
        %max3A_451 = arith.maximumf %div3A_448, %max3A_450 : vector<16xf32>
        %min3A = arith.constant 2.280000e+02 : f32
        %min3A_452 = vector.broadcast %min3A : f32 to vector<16xf32>
        %min3A_453 = arith.minimumf %max3A_451, %min3A_452 : vector<16xf32>
        %max3A_454 = arith.constant -4.000000e+00 : f32
        %max3A_455 = vector.broadcast %max3A_454 : f32 to vector<16xf32>
        %max3A_456 = arith.maximumf %div3A_449, %max3A_455 : vector<16xf32>
        %min3A_457 = arith.constant 2.280000e+02 : f32
        %min3A_458 = vector.broadcast %min3A_457 : f32 to vector<16xf32>
        %min3A_459 = arith.minimumf %max3A_456, %min3A_458 : vector<16xf32>
        %convert_element_type3A_460 = arith.fptosi %min3A_453 : vector<16xf32> to vector<16xi32>
        %convert_element_type3A_461 = arith.fptosi %min3A_459 : vector<16xf32> to vector<16xi32>
        %convert_element_type3A_462 = arith.sitofp %convert_element_type3A_460 : vector<16xi32> to vector<16xf32>
        %gt3A = arith.cmpf ogt, %convert_element_type3A_462, %min3A_453 : vector<16xf32>
        %sub3A_463 = arith.constant 1 : i32
        %sub3A_464 = vector.broadcast %sub3A_463 : i32 to vector<16xi32>
        %sub3A_465 = arith.subi %convert_element_type3A_460, %sub3A_464 : vector<16xi32>
        %select_n3A_466 = arith.select %gt3A, %sub3A_465, %convert_element_type3A_460 : vector<16xi1>, vector<16xi32>
        %convert_element_type3A_467 = arith.sitofp %convert_element_type3A_461 : vector<16xi32> to vector<16xf32>
        %gt3A_468 = arith.cmpf ogt, %convert_element_type3A_467, %min3A_459 : vector<16xf32>
        %sub3A_469 = arith.constant 1 : i32
        %sub3A_470 = vector.broadcast %sub3A_469 : i32 to vector<16xi32>
        %sub3A_471 = arith.subi %convert_element_type3A_461, %sub3A_470 : vector<16xi32>
        %select_n3A_472 = arith.select %gt3A_468, %sub3A_471, %convert_element_type3A_461 : vector<16xi1>, vector<16xi32>
        %add3A_473 = arith.constant 1 : i32
        %add3A_474 = vector.broadcast %add3A_473 : i32 to vector<16xi32>
        %add3A_475 = arith.addi %select_n3A_466, %add3A_474 : vector<16xi32>
        %add3A_476 = arith.constant 1 : i32
        %add3A_477 = vector.broadcast %add3A_476 : i32 to vector<16xi32>
        %add3A_478 = arith.addi %select_n3A_472, %add3A_477 : vector<16xi32>
        %max3A_479 = arith.constant 0 : i32
        %max3A_480 = vector.broadcast %max3A_479 : i32 to vector<16xi32>
        %max3A_481 = arith.maxsi %select_n3A_466, %max3A_480 : vector<16xi32>
        %min3A_482 = arith.constant 223 : i32
        %min3A_483 = vector.broadcast %min3A_482 : i32 to vector<16xi32>
        %min3A_484 = arith.minsi %max3A_481, %min3A_483 : vector<16xi32>
        %max3A_485 = arith.constant 0 : i32
        %max3A_486 = vector.broadcast %max3A_485 : i32 to vector<16xi32>
        %max3A_487 = arith.maxsi %add3A_475, %max3A_486 : vector<16xi32>
        %min3A_488 = arith.constant 223 : i32
        %min3A_489 = vector.broadcast %min3A_488 : i32 to vector<16xi32>
        %min3A_490 = arith.minsi %max3A_487, %min3A_489 : vector<16xi32>
        %max3A_491 = arith.constant 0 : i32
        %max3A_492 = vector.broadcast %max3A_491 : i32 to vector<16xi32>
        %max3A_493 = arith.maxsi %select_n3A_472, %max3A_492 : vector<16xi32>
        %min3A_494 = arith.constant 223 : i32
        %min3A_495 = vector.broadcast %min3A_494 : i32 to vector<16xi32>
        %min3A_496 = arith.minsi %max3A_493, %min3A_495 : vector<16xi32>
        %max3A_497 = arith.constant 0 : i32
        %max3A_498 = vector.broadcast %max3A_497 : i32 to vector<16xi32>
        %max3A_499 = arith.maxsi %add3A_478, %max3A_498 : vector<16xi32>
        %min3A_500 = arith.constant 223 : i32
        %min3A_501 = vector.broadcast %min3A_500 : i32 to vector<16xi32>
        %min3A_502 = arith.minsi %max3A_499, %min3A_501 : vector<16xi32>
        %convert_element_type3A_503 = arith.sitofp %min3A_484 : vector<16xi32> to vector<16xf32>
        %convert_element_type3A_504 = arith.sitofp %min3A_490 : vector<16xi32> to vector<16xf32>
        %convert_element_type3A_505 = arith.sitofp %min3A_496 : vector<16xi32> to vector<16xf32>
        %convert_element_type3A_506 = arith.sitofp %min3A_502 : vector<16xi32> to vector<16xf32>
        %sub3A_507 = arith.subf %convert_element_type3A_504, %div3A_448 : vector<16xf32>
        %sub3A_508 = arith.subf %div3A_448, %convert_element_type3A_503 : vector<16xf32>
        %sub3A_509 = arith.subf %convert_element_type3A_506, %div3A_449 : vector<16xf32>
        %sub3A_510 = arith.subf %div3A_449, %convert_element_type3A_505 : vector<16xf32>
        %mul3A_511 = arith.constant 16 : i32
        %mul3A_512 = arith.muli %scan3A_309, %mul3A_511 : i32
        %mul3A_513 = arith.mulf %sub3A_507, %sub3A_509 : vector<16xf32>
        %swap3A = arith.constant 0 : i32
        %swap3A_514 = arith.index_cast %swap3A : i32 to index
        %swap3A_515 = arith.index_cast %mul3A_512 : i32 to index
        %swap3A_516 = tpu.vector_load %arg11[%swap3A_514, %swap3A_515] {strides = array<i32>} : memref<4x512xf32, #tpu.memory_space<vmem>>, vector<1x16xf32>,
        %swap3A_517 = vector.shape_cast %swap3A_516 : vector<1x16xf32> to vector<16xf32>
        %swap3A_518 = vector.shape_cast %mul3A_513 : vector<16xf32> to vector<1x16xf32>
        tpu.vector_store %arg11[%swap3A_514, %swap3A_515], %swap3A_518 {strides = array<i32>} : memref<4x512xf32, #tpu.memory_space<vmem>>, vector<1x16xf32>,
        %mul3A_519 = arith.mulf %sub3A_507, %sub3A_510 : vector<16xf32>
        %swap3A_520 = arith.constant 1 : i32
        %swap3A_521 = arith.index_cast %swap3A_520 : i32 to index
        %swap3A_522 = arith.index_cast %mul3A_512 : i32 to index
        %swap3A_523 = tpu.vector_load %arg11[%swap3A_521, %swap3A_522] {strides = array<i32>} : memref<4x512xf32, #tpu.memory_space<vmem>>, vector<1x16xf32>,
        %swap3A_524 = vector.shape_cast %swap3A_523 : vector<1x16xf32> to vector<16xf32>
        %swap3A_525 = vector.shape_cast %mul3A_519 : vector<16xf32> to vector<1x16xf32>
        tpu.vector_store %arg11[%swap3A_521, %swap3A_522], %swap3A_525 {strides = array<i32>} : memref<4x512xf32, #tpu.memory_space<vmem>>, vector<1x16xf32>,
        %mul3A_526 = arith.mulf %sub3A_508, %sub3A_509 : vector<16xf32>
        %swap3A_527 = arith.constant 2 : i32
        %swap3A_528 = arith.index_cast %swap3A_527 : i32 to index
        %swap3A_529 = arith.index_cast %mul3A_512 : i32 to index
        %swap3A_530 = tpu.vector_load %arg11[%swap3A_528, %swap3A_529] {strides = array<i32>} : memref<4x512xf32, #tpu.memory_space<vmem>>, vector<1x16xf32>,
        %swap3A_531 = vector.shape_cast %swap3A_530 : vector<1x16xf32> to vector<16xf32>
        %swap3A_532 = vector.shape_cast %mul3A_526 : vector<16xf32> to vector<1x16xf32>
        tpu.vector_store %arg11[%swap3A_528, %swap3A_529], %swap3A_532 {strides = array<i32>} : memref<4x512xf32, #tpu.memory_space<vmem>>, vector<1x16xf32>,
        %mul3A_533 = arith.mulf %sub3A_508, %sub3A_510 : vector<16xf32>
        %swap3A_534 = arith.constant 3 : i32
        %swap3A_535 = arith.index_cast %swap3A_534 : i32 to index
        %swap3A_536 = arith.index_cast %mul3A_512 : i32 to index
        %swap3A_537 = tpu.vector_load %arg11[%swap3A_535, %swap3A_536] {strides = array<i32>} : memref<4x512xf32, #tpu.memory_space<vmem>>, vector<1x16xf32>,
        %swap3A_538 = vector.shape_cast %swap3A_537 : vector<1x16xf32> to vector<16xf32>
        %swap3A_539 = vector.shape_cast %mul3A_533 : vector<16xf32> to vector<1x16xf32>
        tpu.vector_store %arg11[%swap3A_535, %swap3A_536], %swap3A_539 {strides = array<i32>} : memref<4x512xf32, #tpu.memory_space<vmem>>, vector<1x16xf32>,
        %mul3A_540 = arith.constant 224 : i32
        %mul3A_541 = vector.broadcast %mul3A_540 : i32 to vector<16xi32>
        %mul3A_542 = arith.muli %min3A_496, %mul3A_541 : vector<16xi32>
        %add3A_543 = vector.broadcast %mul3A_83 : i32 to vector<16xi32>
        %add3A_544 = arith.addi %mul3A_542, %add3A_543 : vector<16xi32>
        %mul3A_545 = arith.constant 224 : i32
        %mul3A_546 = vector.broadcast %mul3A_545 : i32 to vector<16xi32>
        %mul3A_547 = arith.muli %min3A_502, %mul3A_546 : vector<16xi32>
        %add3A_548 = vector.broadcast %mul3A_83 : i32 to vector<16xi32>
        %add3A_549 = arith.addi %mul3A_547, %add3A_548 : vector<16xi32>
        %add3A_550 = arith.addi %add3A_544, %min3A_484 : vector<16xi32>
        %add3A_551 = arith.addi %add3A_549, %min3A_484 : vector<16xi32>
        %add3A_552 = arith.addi %add3A_544, %min3A_490 : vector<16xi32>
        %add3A_553 = arith.addi %add3A_549, %min3A_490 : vector<16xi32>
        %add3A_554 = arith.constant 0 : i32
        %add3A_555 = arith.addi %add3A_554, %mul3A_512 : i32
        %shift_right_arithmetic3A_556 = arith.constant 7 : i32
        %shift_right_arithmetic3A_557 = arith.shrsi %add3A_555, %shift_right_arithmetic3A_556 : i32
        %and3A_558 = arith.constant 127 : i32
        %and3A_559 = arith.andi %add3A_555, %and3A_558 : i32
        %swap3A_560 = arith.index_cast %shift_right_arithmetic3A_557 : i32 to index
        %swap3A_561 = arith.index_cast %and3A_559 : i32 to index
        %swap3A_562 = tpu.vector_load %arg10[%swap3A_560, %swap3A_561] {strides = array<i32>} : memref<16x128xi32, #tpu.memory_space<vmem>>, vector<1x16xi32>,
        %swap3A_563 = vector.shape_cast %swap3A_562 : vector<1x16xi32> to vector<16xi32>
        %swap3A_564 = vector.shape_cast %add3A_550 : vector<16xi32> to vector<1x16xi32>
        tpu.vector_store %arg10[%swap3A_560, %swap3A_561], %swap3A_564 {strides = array<i32>} : memref<16x128xi32, #tpu.memory_space<vmem>>, vector<1x16xi32>,
        %add3A_565 = arith.constant 512 : i32
        %add3A_566 = arith.addi %add3A_565, %mul3A_512 : i32
        %shift_right_arithmetic3A_567 = arith.constant 7 : i32
        %shift_right_arithmetic3A_568 = arith.shrsi %add3A_566, %shift_right_arithmetic3A_567 : i32
        %and3A_569 = arith.constant 127 : i32
        %and3A_570 = arith.andi %add3A_566, %and3A_569 : i32
        %swap3A_571 = arith.index_cast %shift_right_arithmetic3A_568 : i32 to index
        %swap3A_572 = arith.index_cast %and3A_570 : i32 to index
        %swap3A_573 = tpu.vector_load %arg10[%swap3A_571, %swap3A_572] {strides = array<i32>} : memref<16x128xi32, #tpu.memory_space<vmem>>, vector<1x16xi32>,
        %swap3A_574 = vector.shape_cast %swap3A_573 : vector<1x16xi32> to vector<16xi32>
        %swap3A_575 = vector.shape_cast %add3A_551 : vector<16xi32> to vector<1x16xi32>
        tpu.vector_store %arg10[%swap3A_571, %swap3A_572], %swap3A_575 {strides = array<i32>} : memref<16x128xi32, #tpu.memory_space<vmem>>, vector<1x16xi32>,
        %add3A_576 = arith.constant 1024 : i32
        %add3A_577 = arith.addi %add3A_576, %mul3A_512 : i32
        %shift_right_arithmetic3A_578 = arith.constant 7 : i32
        %shift_right_arithmetic3A_579 = arith.shrsi %add3A_577, %shift_right_arithmetic3A_578 : i32
        %and3A_580 = arith.constant 127 : i32
        %and3A_581 = arith.andi %add3A_577, %and3A_580 : i32
        %swap3A_582 = arith.index_cast %shift_right_arithmetic3A_579 : i32 to index
        %swap3A_583 = arith.index_cast %and3A_581 : i32 to index
        %swap3A_584 = tpu.vector_load %arg10[%swap3A_582, %swap3A_583] {strides = array<i32>} : memref<16x128xi32, #tpu.memory_space<vmem>>, vector<1x16xi32>,
        %swap3A_585 = vector.shape_cast %swap3A_584 : vector<1x16xi32> to vector<16xi32>
        %swap3A_586 = vector.shape_cast %add3A_552 : vector<16xi32> to vector<1x16xi32>
        tpu.vector_store %arg10[%swap3A_582, %swap3A_583], %swap3A_586 {strides = array<i32>} : memref<16x128xi32, #tpu.memory_space<vmem>>, vector<1x16xi32>,
        %add3A_587 = arith.constant 1536 : i32
        %add3A_588 = arith.addi %add3A_587, %mul3A_512 : i32
        %shift_right_arithmetic3A_589 = arith.constant 7 : i32
        %shift_right_arithmetic3A_590 = arith.shrsi %add3A_588, %shift_right_arithmetic3A_589 : i32
        %and3A_591 = arith.constant 127 : i32
        %and3A_592 = arith.andi %add3A_588, %and3A_591 : i32
        %swap3A_593 = arith.index_cast %shift_right_arithmetic3A_590 : i32 to index
        %swap3A_594 = arith.index_cast %and3A_592 : i32 to index
        %swap3A_595 = tpu.vector_load %arg10[%swap3A_593, %swap3A_594] {strides = array<i32>} : memref<16x128xi32, #tpu.memory_space<vmem>>, vector<1x16xi32>,
        %swap3A_596 = vector.shape_cast %swap3A_595 : vector<1x16xi32> to vector<16xi32>
        %swap3A_597 = vector.shape_cast %add3A_553 : vector<16xi32> to vector<1x16xi32>
        tpu.vector_store %arg10[%swap3A_593, %swap3A_594], %swap3A_597 {strides = array<i32>} : memref<16x128xi32, #tpu.memory_space<vmem>>, vector<1x16xi32>,
      }
      %scan3A_133 = arith.constant 32 : i32
      %dma_start3A = arith.constant 0 : i32
      %dma_start3A_134 = arith.constant 0 : i32
      %dma_start3A_135 = arith.constant 0 : i32
      %dma_start3A_136 = tpu.memref_slice %arg12[%dma_start3A_134, %dma_start3A_135] : memref<2048x16xf32, #tpu.memory_space<vmem>> -> memref<128x16xf32, #tpu.memory_space<vmem>>
      %dma_start3A_137 = arith.constant 0 : i32
      %dma_start3A_138 = tpu.memref_slice %arg10[%dma_start3A, %dma_start3A_137] : memref<16x128xi32, #tpu.memory_space<vmem>> -> memref<1x128xi32, #tpu.memory_space<vmem>>
      %dma_start3A_139 = tpu.memref_squeeze %dma_start3A_138 : memref<1x128xi32, #tpu.memory_space<vmem>> -> memref<128xi32, #tpu.memory_space<vmem>>
      %dma_start3A_140 = arith.constant 0 : i32
      %dma_start3A_141 = arith.constant 0 : i32
      %dma_start3A_142 = tpu.memref_slice %arg2[%dma_start3A_140, %dma_start3A_141] : memref<602112x16xf32, #tpu.memory_space<hbm>> -> memref<602112x16xf32, #tpu.memory_space<hbm>>
      tpu.enqueue_indirect_dma source(%dma_start3A_142 : memref<602112x16xf32, #tpu.memory_space<hbm>>) target(%dma_start3A_136 : memref<128x16xf32, #tpu.memory_space<vmem>>) offsets(%dma_start3A_139 : memref<128xi32, #tpu.memory_space<vmem>>) semaphore(%arg14 : memref<!tpu.dma_semaphore, #tpu.memory_space<semaphore_mem>>)
      %dma_start3A_143 = arith.constant 1 : i32
      %dma_start3A_144 = arith.constant 128 : i32
      %dma_start3A_145 = arith.constant 0 : i32
      %dma_start3A_146 = tpu.memref_slice %arg12[%dma_start3A_144, %dma_start3A_145] : memref<2048x16xf32, #tpu.memory_space<vmem>> -> memref<128x16xf32, #tpu.memory_space<vmem>>
      %dma_start3A_147 = arith.constant 0 : i32
      %dma_start3A_148 = tpu.memref_slice %arg10[%dma_start3A_143, %dma_start3A_147] : memref<16x128xi32, #tpu.memory_space<vmem>> -> memref<1x128xi32, #tpu.memory_space<vmem>>
      %dma_start3A_149 = tpu.memref_squeeze %dma_start3A_148 : memref<1x128xi32, #tpu.memory_space<vmem>> -> memref<128xi32, #tpu.memory_space<vmem>>
      %dma_start3A_150 = arith.constant 0 : i32
      %dma_start3A_151 = arith.constant 0 : i32
      %dma_start3A_152 = tpu.memref_slice %arg2[%dma_start3A_150, %dma_start3A_151] : memref<602112x16xf32, #tpu.memory_space<hbm>> -> memref<602112x16xf32, #tpu.memory_space<hbm>>
      tpu.enqueue_indirect_dma source(%dma_start3A_152 : memref<602112x16xf32, #tpu.memory_space<hbm>>) target(%dma_start3A_146 : memref<128x16xf32, #tpu.memory_space<vmem>>) offsets(%dma_start3A_149 : memref<128xi32, #tpu.memory_space<vmem>>) semaphore(%arg14 : memref<!tpu.dma_semaphore, #tpu.memory_space<semaphore_mem>>)
      %dma_start3A_153 = arith.constant 2 : i32
      %dma_start3A_154 = arith.constant 256 : i32
      %dma_start3A_155 = arith.constant 0 : i32
      %dma_start3A_156 = tpu.memref_slice %arg12[%dma_start3A_154, %dma_start3A_155] : memref<2048x16xf32, #tpu.memory_space<vmem>> -> memref<128x16xf32, #tpu.memory_space<vmem>>
      %dma_start3A_157 = arith.constant 0 : i32
      %dma_start3A_158 = tpu.memref_slice %arg10[%dma_start3A_153, %dma_start3A_157] : memref<16x128xi32, #tpu.memory_space<vmem>> -> memref<1x128xi32, #tpu.memory_space<vmem>>
      %dma_start3A_159 = tpu.memref_squeeze %dma_start3A_158 : memref<1x128xi32, #tpu.memory_space<vmem>> -> memref<128xi32, #tpu.memory_space<vmem>>
      %dma_start3A_160 = arith.constant 0 : i32
      %dma_start3A_161 = arith.constant 0 : i32
      %dma_start3A_162 = tpu.memref_slice %arg2[%dma_start3A_160, %dma_start3A_161] : memref<602112x16xf32, #tpu.memory_space<hbm>> -> memref<602112x16xf32, #tpu.memory_space<hbm>>
      tpu.enqueue_indirect_dma source(%dma_start3A_162 : memref<602112x16xf32, #tpu.memory_space<hbm>>) target(%dma_start3A_156 : memref<128x16xf32, #tpu.memory_space<vmem>>) offsets(%dma_start3A_159 : memref<128xi32, #tpu.memory_space<vmem>>) semaphore(%arg14 : memref<!tpu.dma_semaphore, #tpu.memory_space<semaphore_mem>>)
      %dma_start3A_163 = arith.constant 3 : i32
      %dma_start3A_164 = arith.constant 384 : i32
      %dma_start3A_165 = arith.constant 0 : i32
      %dma_start3A_166 = tpu.memref_slice %arg12[%dma_start3A_164, %dma_start3A_165] : memref<2048x16xf32, #tpu.memory_space<vmem>> -> memref<128x16xf32, #tpu.memory_space<vmem>>
      %dma_start3A_167 = arith.constant 0 : i32
      %dma_start3A_168 = tpu.memref_slice %arg10[%dma_start3A_163, %dma_start3A_167] : memref<16x128xi32, #tpu.memory_space<vmem>> -> memref<1x128xi32, #tpu.memory_space<vmem>>
      %dma_start3A_169 = tpu.memref_squeeze %dma_start3A_168 : memref<1x128xi32, #tpu.memory_space<vmem>> -> memref<128xi32, #tpu.memory_space<vmem>>
      %dma_start3A_170 = arith.constant 0 : i32
      %dma_start3A_171 = arith.constant 0 : i32
      %dma_start3A_172 = tpu.memref_slice %arg2[%dma_start3A_170, %dma_start3A_171] : memref<602112x16xf32, #tpu.memory_space<hbm>> -> memref<602112x16xf32, #tpu.memory_space<hbm>>
      tpu.enqueue_indirect_dma source(%dma_start3A_172 : memref<602112x16xf32, #tpu.memory_space<hbm>>) target(%dma_start3A_166 : memref<128x16xf32, #tpu.memory_space<vmem>>) offsets(%dma_start3A_169 : memref<128xi32, #tpu.memory_space<vmem>>) semaphore(%arg14 : memref<!tpu.dma_semaphore, #tpu.memory_space<semaphore_mem>>)
      %dma_start3A_173 = arith.constant 4 : i32
      %dma_start3A_174 = arith.constant 512 : i32
      %dma_start3A_175 = arith.constant 0 : i32
      %dma_start3A_176 = tpu.memref_slice %arg12[%dma_start3A_174, %dma_start3A_175] : memref<2048x16xf32, #tpu.memory_space<vmem>> -> memref<128x16xf32, #tpu.memory_space<vmem>>
      %dma_start3A_177 = arith.constant 0 : i32
      %dma_start3A_178 = tpu.memref_slice %arg10[%dma_start3A_173, %dma_start3A_177] : memref<16x128xi32, #tpu.memory_space<vmem>> -> memref<1x128xi32, #tpu.memory_space<vmem>>
      %dma_start3A_179 = tpu.memref_squeeze %dma_start3A_178 : memref<1x128xi32, #tpu.memory_space<vmem>> -> memref<128xi32, #tpu.memory_space<vmem>>
      %dma_start3A_180 = arith.constant 0 : i32
      %dma_start3A_181 = arith.constant 0 : i32
      %dma_start3A_182 = tpu.memref_slice %arg2[%dma_start3A_180, %dma_start3A_181] : memref<602112x16xf32, #tpu.memory_space<hbm>> -> memref<602112x16xf32, #tpu.memory_space<hbm>>
      tpu.enqueue_indirect_dma source(%dma_start3A_182 : memref<602112x16xf32, #tpu.memory_space<hbm>>) target(%dma_start3A_176 : memref<128x16xf32, #tpu.memory_space<vmem>>) offsets(%dma_start3A_179 : memref<128xi32, #tpu.memory_space<vmem>>) semaphore(%arg14 : memref<!tpu.dma_semaphore, #tpu.memory_space<semaphore_mem>>)
      %dma_start3A_183 = arith.constant 5 : i32
      %dma_start3A_184 = arith.constant 640 : i32
      %dma_start3A_185 = arith.constant 0 : i32
      %dma_start3A_186 = tpu.memref_slice %arg12[%dma_start3A_184, %dma_start3A_185] : memref<2048x16xf32, #tpu.memory_space<vmem>> -> memref<128x16xf32, #tpu.memory_space<vmem>>
      %dma_start3A_187 = arith.constant 0 : i32
      %dma_start3A_188 = tpu.memref_slice %arg10[%dma_start3A_183, %dma_start3A_187] : memref<16x128xi32, #tpu.memory_space<vmem>> -> memref<1x128xi32, #tpu.memory_space<vmem>>
      %dma_start3A_189 = tpu.memref_squeeze %dma_start3A_188 : memref<1x128xi32, #tpu.memory_space<vmem>> -> memref<128xi32, #tpu.memory_space<vmem>>
      %dma_start3A_190 = arith.constant 0 : i32
      %dma_start3A_191 = arith.constant 0 : i32
      %dma_start3A_192 = tpu.memref_slice %arg2[%dma_start3A_190, %dma_start3A_191] : memref<602112x16xf32, #tpu.memory_space<hbm>> -> memref<602112x16xf32, #tpu.memory_space<hbm>>
      tpu.enqueue_indirect_dma source(%dma_start3A_192 : memref<602112x16xf32, #tpu.memory_space<hbm>>) target(%dma_start3A_186 : memref<128x16xf32, #tpu.memory_space<vmem>>) offsets(%dma_start3A_189 : memref<128xi32, #tpu.memory_space<vmem>>) semaphore(%arg14 : memref<!tpu.dma_semaphore, #tpu.memory_space<semaphore_mem>>)
      %dma_start3A_193 = arith.constant 6 : i32
      %dma_start3A_194 = arith.constant 768 : i32
      %dma_start3A_195 = arith.constant 0 : i32
      %dma_start3A_196 = tpu.memref_slice %arg12[%dma_start3A_194, %dma_start3A_195] : memref<2048x16xf32, #tpu.memory_space<vmem>> -> memref<128x16xf32, #tpu.memory_space<vmem>>
      %dma_start3A_197 = arith.constant 0 : i32
      %dma_start3A_198 = tpu.memref_slice %arg10[%dma_start3A_193, %dma_start3A_197] : memref<16x128xi32, #tpu.memory_space<vmem>> -> memref<1x128xi32, #tpu.memory_space<vmem>>
      %dma_start3A_199 = tpu.memref_squeeze %dma_start3A_198 : memref<1x128xi32, #tpu.memory_space<vmem>> -> memref<128xi32, #tpu.memory_space<vmem>>
      %dma_start3A_200 = arith.constant 0 : i32
      %dma_start3A_201 = arith.constant 0 : i32
      %dma_start3A_202 = tpu.memref_slice %arg2[%dma_start3A_200, %dma_start3A_201] : memref<602112x16xf32, #tpu.memory_space<hbm>> -> memref<602112x16xf32, #tpu.memory_space<hbm>>
      tpu.enqueue_indirect_dma source(%dma_start3A_202 : memref<602112x16xf32, #tpu.memory_space<hbm>>) target(%dma_start3A_196 : memref<128x16xf32, #tpu.memory_space<vmem>>) offsets(%dma_start3A_199 : memref<128xi32, #tpu.memory_space<vmem>>) semaphore(%arg14 : memref<!tpu.dma_semaphore, #tpu.memory_space<semaphore_mem>>)
      %dma_start3A_203 = arith.constant 7 : i32
      %dma_start3A_204 = arith.constant 896 : i32
      %dma_start3A_205 = arith.constant 0 : i32
      %dma_start3A_206 = tpu.memref_slice %arg12[%dma_start3A_204, %dma_start3A_205] : memref<2048x16xf32, #tpu.memory_space<vmem>> -> memref<128x16xf32, #tpu.memory_space<vmem>>
      %dma_start3A_207 = arith.constant 0 : i32
      %dma_start3A_208 = tpu.memref_slice %arg10[%dma_start3A_203, %dma_start3A_207] : memref<16x128xi32, #tpu.memory_space<vmem>> -> memref<1x128xi32, #tpu.memory_space<vmem>>
      %dma_start3A_209 = tpu.memref_squeeze %dma_start3A_208 : memref<1x128xi32, #tpu.memory_space<vmem>> -> memref<128xi32, #tpu.memory_space<vmem>>
      %dma_start3A_210 = arith.constant 0 : i32
      %dma_start3A_211 = arith.constant 0 : i32
      %dma_start3A_212 = tpu.memref_slice %arg2[%dma_start3A_210, %dma_start3A_211] : memref<602112x16xf32, #tpu.memory_space<hbm>> -> memref<602112x16xf32, #tpu.memory_space<hbm>>
      tpu.enqueue_indirect_dma source(%dma_start3A_212 : memref<602112x16xf32, #tpu.memory_space<hbm>>) target(%dma_start3A_206 : memref<128x16xf32, #tpu.memory_space<vmem>>) offsets(%dma_start3A_209 : memref<128xi32, #tpu.memory_space<vmem>>) semaphore(%arg14 : memref<!tpu.dma_semaphore, #tpu.memory_space<semaphore_mem>>)
      %dma_start3A_213 = arith.constant 8 : i32
      %dma_start3A_214 = arith.constant 1024 : i32
      %dma_start3A_215 = arith.constant 0 : i32
      %dma_start3A_216 = tpu.memref_slice %arg12[%dma_start3A_214, %dma_start3A_215] : memref<2048x16xf32, #tpu.memory_space<vmem>> -> memref<128x16xf32, #tpu.memory_space<vmem>>
      %dma_start3A_217 = arith.constant 0 : i32
      %dma_start3A_218 = tpu.memref_slice %arg10[%dma_start3A_213, %dma_start3A_217] : memref<16x128xi32, #tpu.memory_space<vmem>> -> memref<1x128xi32, #tpu.memory_space<vmem>>
      %dma_start3A_219 = tpu.memref_squeeze %dma_start3A_218 : memref<1x128xi32, #tpu.memory_space<vmem>> -> memref<128xi32, #tpu.memory_space<vmem>>
      %dma_start3A_220 = arith.constant 0 : i32
      %dma_start3A_221 = arith.constant 0 : i32
      %dma_start3A_222 = tpu.memref_slice %arg2[%dma_start3A_220, %dma_start3A_221] : memref<602112x16xf32, #tpu.memory_space<hbm>> -> memref<602112x16xf32, #tpu.memory_space<hbm>>
      tpu.enqueue_indirect_dma source(%dma_start3A_222 : memref<602112x16xf32, #tpu.memory_space<hbm>>) target(%dma_start3A_216 : memref<128x16xf32, #tpu.memory_space<vmem>>) offsets(%dma_start3A_219 : memref<128xi32, #tpu.memory_space<vmem>>) semaphore(%arg14 : memref<!tpu.dma_semaphore, #tpu.memory_space<semaphore_mem>>)
      %dma_start3A_223 = arith.constant 9 : i32
      %dma_start3A_224 = arith.constant 1152 : i32
      %dma_start3A_225 = arith.constant 0 : i32
      %dma_start3A_226 = tpu.memref_slice %arg12[%dma_start3A_224, %dma_start3A_225] : memref<2048x16xf32, #tpu.memory_space<vmem>> -> memref<128x16xf32, #tpu.memory_space<vmem>>
      %dma_start3A_227 = arith.constant 0 : i32
      %dma_start3A_228 = tpu.memref_slice %arg10[%dma_start3A_223, %dma_start3A_227] : memref<16x128xi32, #tpu.memory_space<vmem>> -> memref<1x128xi32, #tpu.memory_space<vmem>>
      %dma_start3A_229 = tpu.memref_squeeze %dma_start3A_228 : memref<1x128xi32, #tpu.memory_space<vmem>> -> memref<128xi32, #tpu.memory_space<vmem>>
      %dma_start3A_230 = arith.constant 0 : i32
      %dma_start3A_231 = arith.constant 0 : i32
      %dma_start3A_232 = tpu.memref_slice %arg2[%dma_start3A_230, %dma_start3A_231] : memref<602112x16xf32, #tpu.memory_space<hbm>> -> memref<602112x16xf32, #tpu.memory_space<hbm>>
      tpu.enqueue_indirect_dma source(%dma_start3A_232 : memref<602112x16xf32, #tpu.memory_space<hbm>>) target(%dma_start3A_226 : memref<128x16xf32, #tpu.memory_space<vmem>>) offsets(%dma_start3A_229 : memref<128xi32, #tpu.memory_space<vmem>>) semaphore(%arg14 : memref<!tpu.dma_semaphore, #tpu.memory_space<semaphore_mem>>)
      %dma_start3A_233 = arith.constant 10 : i32
      %dma_start3A_234 = arith.constant 1280 : i32
      %dma_start3A_235 = arith.constant 0 : i32
      %dma_start3A_236 = tpu.memref_slice %arg12[%dma_start3A_234, %dma_start3A_235] : memref<2048x16xf32, #tpu.memory_space<vmem>> -> memref<128x16xf32, #tpu.memory_space<vmem>>
      %dma_start3A_237 = arith.constant 0 : i32
      %dma_start3A_238 = tpu.memref_slice %arg10[%dma_start3A_233, %dma_start3A_237] : memref<16x128xi32, #tpu.memory_space<vmem>> -> memref<1x128xi32, #tpu.memory_space<vmem>>
      %dma_start3A_239 = tpu.memref_squeeze %dma_start3A_238 : memref<1x128xi32, #tpu.memory_space<vmem>> -> memref<128xi32, #tpu.memory_space<vmem>>
      %dma_start3A_240 = arith.constant 0 : i32
      %dma_start3A_241 = arith.constant 0 : i32
      %dma_start3A_242 = tpu.memref_slice %arg2[%dma_start3A_240, %dma_start3A_241] : memref<602112x16xf32, #tpu.memory_space<hbm>> -> memref<602112x16xf32, #tpu.memory_space<hbm>>
      tpu.enqueue_indirect_dma source(%dma_start3A_242 : memref<602112x16xf32, #tpu.memory_space<hbm>>) target(%dma_start3A_236 : memref<128x16xf32, #tpu.memory_space<vmem>>) offsets(%dma_start3A_239 : memref<128xi32, #tpu.memory_space<vmem>>) semaphore(%arg14 : memref<!tpu.dma_semaphore, #tpu.memory_space<semaphore_mem>>)
      %dma_start3A_243 = arith.constant 11 : i32
      %dma_start3A_244 = arith.constant 1408 : i32
      %dma_start3A_245 = arith.constant 0 : i32
      %dma_start3A_246 = tpu.memref_slice %arg12[%dma_start3A_244, %dma_start3A_245] : memref<2048x16xf32, #tpu.memory_space<vmem>> -> memref<128x16xf32, #tpu.memory_space<vmem>>
      %dma_start3A_247 = arith.constant 0 : i32
      %dma_start3A_248 = tpu.memref_slice %arg10[%dma_start3A_243, %dma_start3A_247] : memref<16x128xi32, #tpu.memory_space<vmem>> -> memref<1x128xi32, #tpu.memory_space<vmem>>
      %dma_start3A_249 = tpu.memref_squeeze %dma_start3A_248 : memref<1x128xi32, #tpu.memory_space<vmem>> -> memref<128xi32, #tpu.memory_space<vmem>>
      %dma_start3A_250 = arith.constant 0 : i32
      %dma_start3A_251 = arith.constant 0 : i32
      %dma_start3A_252 = tpu.memref_slice %arg2[%dma_start3A_250, %dma_start3A_251] : memref<602112x16xf32, #tpu.memory_space<hbm>> -> memref<602112x16xf32, #tpu.memory_space<hbm>>
      tpu.enqueue_indirect_dma source(%dma_start3A_252 : memref<602112x16xf32, #tpu.memory_space<hbm>>) target(%dma_start3A_246 : memref<128x16xf32, #tpu.memory_space<vmem>>) offsets(%dma_start3A_249 : memref<128xi32, #tpu.memory_space<vmem>>) semaphore(%arg14 : memref<!tpu.dma_semaphore, #tpu.memory_space<semaphore_mem>>)
      %dma_start3A_253 = arith.constant 12 : i32
      %dma_start3A_254 = arith.constant 1536 : i32
      %dma_start3A_255 = arith.constant 0 : i32
      %dma_start3A_256 = tpu.memref_slice %arg12[%dma_start3A_254, %dma_start3A_255] : memref<2048x16xf32, #tpu.memory_space<vmem>> -> memref<128x16xf32, #tpu.memory_space<vmem>>
      %dma_start3A_257 = arith.constant 0 : i32
      %dma_start3A_258 = tpu.memref_slice %arg10[%dma_start3A_253, %dma_start3A_257] : memref<16x128xi32, #tpu.memory_space<vmem>> -> memref<1x128xi32, #tpu.memory_space<vmem>>
      %dma_start3A_259 = tpu.memref_squeeze %dma_start3A_258 : memref<1x128xi32, #tpu.memory_space<vmem>> -> memref<128xi32, #tpu.memory_space<vmem>>
      %dma_start3A_260 = arith.constant 0 : i32
      %dma_start3A_261 = arith.constant 0 : i32
      %dma_start3A_262 = tpu.memref_slice %arg2[%dma_start3A_260, %dma_start3A_261] : memref<602112x16xf32, #tpu.memory_space<hbm>> -> memref<602112x16xf32, #tpu.memory_space<hbm>>
      tpu.enqueue_indirect_dma source(%dma_start3A_262 : memref<602112x16xf32, #tpu.memory_space<hbm>>) target(%dma_start3A_256 : memref<128x16xf32, #tpu.memory_space<vmem>>) offsets(%dma_start3A_259 : memref<128xi32, #tpu.memory_space<vmem>>) semaphore(%arg14 : memref<!tpu.dma_semaphore, #tpu.memory_space<semaphore_mem>>)
      %dma_start3A_263 = arith.constant 13 : i32
      %dma_start3A_264 = arith.constant 1664 : i32
      %dma_start3A_265 = arith.constant 0 : i32
      %dma_start3A_266 = tpu.memref_slice %arg12[%dma_start3A_264, %dma_start3A_265] : memref<2048x16xf32, #tpu.memory_space<vmem>> -> memref<128x16xf32, #tpu.memory_space<vmem>>
      %dma_start3A_267 = arith.constant 0 : i32
      %dma_start3A_268 = tpu.memref_slice %arg10[%dma_start3A_263, %dma_start3A_267] : memref<16x128xi32, #tpu.memory_space<vmem>> -> memref<1x128xi32, #tpu.memory_space<vmem>>
      %dma_start3A_269 = tpu.memref_squeeze %dma_start3A_268 : memref<1x128xi32, #tpu.memory_space<vmem>> -> memref<128xi32, #tpu.memory_space<vmem>>
      %dma_start3A_270 = arith.constant 0 : i32
      %dma_start3A_271 = arith.constant 0 : i32
      %dma_start3A_272 = tpu.memref_slice %arg2[%dma_start3A_270, %dma_start3A_271] : memref<602112x16xf32, #tpu.memory_space<hbm>> -> memref<602112x16xf32, #tpu.memory_space<hbm>>
      tpu.enqueue_indirect_dma source(%dma_start3A_272 : memref<602112x16xf32, #tpu.memory_space<hbm>>) target(%dma_start3A_266 : memref<128x16xf32, #tpu.memory_space<vmem>>) offsets(%dma_start3A_269 : memref<128xi32, #tpu.memory_space<vmem>>) semaphore(%arg14 : memref<!tpu.dma_semaphore, #tpu.memory_space<semaphore_mem>>)
      %dma_start3A_273 = arith.constant 14 : i32
      %dma_start3A_274 = arith.constant 1792 : i32
      %dma_start3A_275 = arith.constant 0 : i32
      %dma_start3A_276 = tpu.memref_slice %arg12[%dma_start3A_274, %dma_start3A_275] : memref<2048x16xf32, #tpu.memory_space<vmem>> -> memref<128x16xf32, #tpu.memory_space<vmem>>
      %dma_start3A_277 = arith.constant 0 : i32
      %dma_start3A_278 = tpu.memref_slice %arg10[%dma_start3A_273, %dma_start3A_277] : memref<16x128xi32, #tpu.memory_space<vmem>> -> memref<1x128xi32, #tpu.memory_space<vmem>>
      %dma_start3A_279 = tpu.memref_squeeze %dma_start3A_278 : memref<1x128xi32, #tpu.memory_space<vmem>> -> memref<128xi32, #tpu.memory_space<vmem>>
      %dma_start3A_280 = arith.constant 0 : i32
      %dma_start3A_281 = arith.constant 0 : i32
      %dma_start3A_282 = tpu.memref_slice %arg2[%dma_start3A_280, %dma_start3A_281] : memref<602112x16xf32, #tpu.memory_space<hbm>> -> memref<602112x16xf32, #tpu.memory_space<hbm>>
      tpu.enqueue_indirect_dma source(%dma_start3A_282 : memref<602112x16xf32, #tpu.memory_space<hbm>>) target(%dma_start3A_276 : memref<128x16xf32, #tpu.memory_space<vmem>>) offsets(%dma_start3A_279 : memref<128xi32, #tpu.memory_space<vmem>>) semaphore(%arg14 : memref<!tpu.dma_semaphore, #tpu.memory_space<semaphore_mem>>)
      %dma_start3A_283 = arith.constant 15 : i32
      %dma_start3A_284 = arith.constant 1920 : i32
      %dma_start3A_285 = arith.constant 0 : i32
      %dma_start3A_286 = tpu.memref_slice %arg12[%dma_start3A_284, %dma_start3A_285] : memref<2048x16xf32, #tpu.memory_space<vmem>> -> memref<128x16xf32, #tpu.memory_space<vmem>>
      %dma_start3A_287 = arith.constant 0 : i32
      %dma_start3A_288 = tpu.memref_slice %arg10[%dma_start3A_283, %dma_start3A_287] : memref<16x128xi32, #tpu.memory_space<vmem>> -> memref<1x128xi32, #tpu.memory_space<vmem>>
      %dma_start3A_289 = tpu.memref_squeeze %dma_start3A_288 : memref<1x128xi32, #tpu.memory_space<vmem>> -> memref<128xi32, #tpu.memory_space<vmem>>
      %dma_start3A_290 = arith.constant 0 : i32
      %dma_start3A_291 = arith.constant 0 : i32
      %dma_start3A_292 = tpu.memref_slice %arg2[%dma_start3A_290, %dma_start3A_291] : memref<602112x16xf32, #tpu.memory_space<hbm>> -> memref<602112x16xf32, #tpu.memory_space<hbm>>
      tpu.enqueue_indirect_dma source(%dma_start3A_292 : memref<602112x16xf32, #tpu.memory_space<hbm>>) target(%dma_start3A_286 : memref<128x16xf32, #tpu.memory_space<vmem>>) offsets(%dma_start3A_289 : memref<128xi32, #tpu.memory_space<vmem>>) semaphore(%arg14 : memref<!tpu.dma_semaphore, #tpu.memory_space<semaphore_mem>>)
      %dma_wait3A = arith.constant 0 : i32
      %dma_wait3A_293 = arith.constant 0 : i32
      %dma_wait3A_294 = tpu.memref_slice %arg2[%dma_wait3A, %dma_wait3A_293] : memref<602112x16xf32, #tpu.memory_space<hbm>> -> memref<2048x16xf32, #tpu.memory_space<hbm>>
      %dma_wait3A_295 = arith.constant 0 : i32
      %dma_wait3A_296 = arith.constant 0 : i32
      %dma_wait3A_297 = tpu.memref_slice %arg2[%dma_wait3A_295, %dma_wait3A_296] : memref<602112x16xf32, #tpu.memory_space<hbm>> -> memref<2048x16xf32, #tpu.memory_space<hbm>>
      tpu.wait_dma2 semaphore(%arg14 : memref<!tpu.dma_semaphore, #tpu.memory_space<semaphore_mem>>) src(%dma_wait3A_297 : memref<2048x16xf32, #tpu.memory_space<hbm>>) dst(%arg12 : memref<2048x16xf32, #tpu.memory_space<vmem>>)
      %eq3A_298 = arith.constant 0 : i32
      %eq3A_299 = arith.cmpi eq, %select_n3A_78, %eq3A_298 : i32
      %scan3A_300 = arith.constant 0 : i32
      %scan3A_301 = arith.constant 0 : i32
      %scan3A_302 = arith.constant 32 : i32
      %scan3A_303 = arith.addi %scan3A_301, %scan3A_302 : i32
      %scan3A_304 = arith.constant 1 : i32
      scf.for %scan3A_309 = %scan3A_301 to %scan3A_303 step %scan3A_304  : i32 {
        %mul3A_310 = arith.constant 16 : i32
        %mul3A_311 = arith.muli %scan3A_309, %mul3A_310 : i32
        %get3A_312 = arith.constant 0 : i32
        %get3A_313 = arith.index_cast %get3A_312 : i32 to index
        %get3A_314 = arith.index_cast %mul3A_311 : i32 to index
        %get3A_315 = tpu.vector_load %arg11[%get3A_313, %get3A_314] {strides = array<i32>} : memref<4x512xf32, #tpu.memory_space<vmem>>, vector<1x16xf32>,
        %get3A_316 = vector.shape_cast %get3A_315 : vector<1x16xf32> to vector<16xf32>
        %get3A_317 = arith.constant 1 : i32
        %get3A_318 = arith.index_cast %get3A_317 : i32 to index
        %get3A_319 = arith.index_cast %mul3A_311 : i32 to index
        %get3A_320 = tpu.vector_load %arg11[%get3A_318, %get3A_319] {strides = array<i32>} : memref<4x512xf32, #tpu.memory_space<vmem>>, vector<1x16xf32>,
        %get3A_321 = vector.shape_cast %get3A_320 : vector<1x16xf32> to vector<16xf32>
        %get3A_322 = arith.constant 2 : i32
        %get3A_323 = arith.index_cast %get3A_322 : i32 to index
        %get3A_324 = arith.index_cast %mul3A_311 : i32 to index
        %get3A_325 = tpu.vector_load %arg11[%get3A_323, %get3A_324] {strides = array<i32>} : memref<4x512xf32, #tpu.memory_space<vmem>>, vector<1x16xf32>,
        %get3A_326 = vector.shape_cast %get3A_325 : vector<1x16xf32> to vector<16xf32>
        %get3A_327 = arith.constant 3 : i32
        %get3A_328 = arith.index_cast %get3A_327 : i32 to index
        %get3A_329 = arith.index_cast %mul3A_311 : i32 to index
        %get3A_330 = tpu.vector_load %arg11[%get3A_328, %get3A_329] {strides = array<i32>} : memref<4x512xf32, #tpu.memory_space<vmem>>, vector<1x16xf32>,
        %get3A_331 = vector.shape_cast %get3A_330 : vector<1x16xf32> to vector<16xf32>
        %add3A_332 = arith.constant 0 : i32
        %add3A_333 = arith.addi %mul3A_311, %add3A_332 : i32
        %slice3A_334 = vector.extract_strided_slice %get3A_316 {offsets = [0], sizes = [1], strides = [1]} : vector<16xf32> to vector<1xf32>
        %squeeze3A_335 = vector.extract %slice3A_334[0] : f32 from vector<1xf32>
        %get3A_336 = arith.index_cast %add3A_333 : i32 to index
        %get3A_337 = arith.constant 0 : index
        %get3A_338 = tpu.vector_load %arg12[%get3A_336, %get3A_337] {strides = array<i32>} : memref<2048x16xf32, #tpu.memory_space<vmem>>, vector<1x16xf32>,
        %get3A_339 = vector.shape_cast %get3A_338 : vector<1x16xf32> to vector<16xf32>
        %mul3A_340 = vector.broadcast %squeeze3A_335 : f32 to vector<16xf32>
        %mul3A_341 = arith.mulf %mul3A_340, %get3A_339 : vector<16xf32>
        %slice3A_342 = vector.extract_strided_slice %get3A_321 {offsets = [0], sizes = [1], strides = [1]} : vector<16xf32> to vector<1xf32>
        %squeeze3A_343 = vector.extract %slice3A_342[0] : f32 from vector<1xf32>
        %add3A_344 = arith.constant 512 : i32
        %add3A_345 = arith.addi %add3A_344, %add3A_333 : i32
        %get3A_346 = arith.index_cast %add3A_345 : i32 to index
        %get3A_347 = arith.constant 0 : index
        %get3A_348 = tpu.vector_load %arg12[%get3A_346, %get3A_347] {strides = array<i32>} : memref<2048x16xf32, #tpu.memory_space<vmem>>, vector<1x16xf32>,
        %get3A_349 = vector.shape_cast %get3A_348 : vector<1x16xf32> to vector<16xf32>
        %mul3A_350 = vector.broadcast %squeeze3A_343 : f32 to vector<16xf32>
        %mul3A_351 = arith.mulf %mul3A_350, %get3A_349 : vector<16xf32>
        %add3A_352 = arith.addf %mul3A_341, %mul3A_351 : vector<16xf32>
        %slice3A_353 = vector.extract_strided_slice %get3A_326 {offsets = [0], sizes = [1], strides = [1]} : vector<16xf32> to vector<1xf32>
        %squeeze3A_354 = vector.extract %slice3A_353[0] : f32 from vector<1xf32>
        %add3A_355 = arith.constant 1024 : i32
        %add3A_356 = arith.addi %add3A_355, %add3A_333 : i32
        %get3A_357 = arith.index_cast %add3A_356 : i32 to index
        %get3A_358 = arith.constant 0 : index
        %get3A_359 = tpu.vector_load %arg12[%get3A_357, %get3A_358] {strides = array<i32>} : memref<2048x16xf32, #tpu.memory_space<vmem>>, vector<1x16xf32>,
        %get3A_360 = vector.shape_cast %get3A_359 : vector<1x16xf32> to vector<16xf32>
        %mul3A_361 = vector.broadcast %squeeze3A_354 : f32 to vector<16xf32>
        %mul3A_362 = arith.mulf %mul3A_361, %get3A_360 : vector<16xf32>
        %add3A_363 = arith.addf %add3A_352, %mul3A_362 : vector<16xf32>
        %slice3A_364 = vector.extract_strided_slice %get3A_331 {offsets = [0], sizes = [1], strides = [1]} : vector<16xf32> to vector<1xf32>
        %squeeze3A_365 = vector.extract %slice3A_364[0] : f32 from vector<1xf32>
        %add3A_366 = arith.constant 1536 : i32
        %add3A_367 = arith.addi %add3A_366, %add3A_333 : i32
        %get3A_368 = arith.index_cast %add3A_367 : i32 to index
        %get3A_369 = arith.constant 0 : index
        %get3A_370 = tpu.vector_load %arg12[%get3A_368, %get3A_369] {strides = array<i32>} : memref<2048x16xf32, #tpu.memory_space<vmem>>, vector<1x16xf32>,
        %get3A_371 = vector.shape_cast %get3A_370 : vector<1x16xf32> to vector<16xf32>
        %mul3A_372 = vector.broadcast %squeeze3A_365 : f32 to vector<16xf32>
        %mul3A_373 = arith.mulf %mul3A_372, %get3A_371 : vector<16xf32>
        %add3A_374 = arith.addf %add3A_363, %mul3A_373 : vector<16xf32>
        %get3A_375 = arith.index_cast %add3A_333 : i32 to index
        %get3A_376 = arith.constant 0 : index
        %get3A_377 = tpu.vector_load %arg13[%get3A_375, %get3A_376] {strides = array<i32>} : memref<512x16xf32, #tpu.memory_space<vmem>>, vector<1x16xf32>,
        %get3A_378 = vector.shape_cast %get3A_377 : vector<1x16xf32> to vector<16xf32>
        %max3A = arith.maximumf %get3A_378, %add3A_374 : vector<16xf32>
        %select_n3A_379 = arith.select %eq3A_299, %add3A_374, %max3A : vector<16xf32>
        %swap3A = arith.index_cast %add3A_333 : i32 to index
        %swap3A_380 = arith.constant 0 : index
        %swap3A_381 = tpu.vector_load %arg13[%swap3A, %swap3A_380] {strides = array<i32>} : memref<512x16xf32, #tpu.memory_space<vmem>>, vector<1x16xf32>,
        %swap3A_382 = vector.shape_cast %swap3A_381 : vector<1x16xf32> to vector<16xf32>
        %swap3A_383 = vector.shape_cast %select_n3A_379 : vector<16xf32> to vector<1x16xf32>
        tpu.vector_store %arg13[%swap3A, %swap3A_380], %swap3A_383 {strides = array<i32>} : memref<512x16xf32, #tpu.memory_space<vmem>>, vector<1x16xf32>,
        %add3A_384 = arith.constant 1 : i32
        %add3A_385 = arith.addi %mul3A_311, %add3A_384 : i32
        %slice3A_386 = vector.extract_strided_slice %get3A_316 {offsets = [1], sizes = [1], strides = [1]} : vector<16xf32> to vector<1xf32>
        %squeeze3A_387 = vector.extract %slice3A_386[0] : f32 from vector<1xf32>
        %get3A_388 = arith.index_cast %add3A_385 : i32 to index
        %get3A_389 = arith.constant 0 : index
        %get3A_390 = tpu.vector_load %arg12[%get3A_388, %get3A_389] {strides = array<i32>} : memref<2048x16xf32, #tpu.memory_space<vmem>>, vector<1x16xf32>,
        %get3A_391 = vector.shape_cast %get3A_390 : vector<1x16xf32> to vector<16xf32>
        %mul3A_392 = vector.broadcast %squeeze3A_387 : f32 to vector<16xf32>
        %mul3A_393 = arith.mulf %mul3A_392, %get3A_391 : vector<16xf32>
        %slice3A_394 = vector.extract_strided_slice %get3A_321 {offsets = [1], sizes = [1], strides = [1]} : vector<16xf32> to vector<1xf32>
        %squeeze3A_395 = vector.extract %slice3A_394[0] : f32 from vector<1xf32>
        %add3A_396 = arith.constant 512 : i32
        %add3A_397 = arith.addi %add3A_396, %add3A_385 : i32
        %get3A_398 = arith.index_cast %add3A_397 : i32 to index
        %get3A_399 = arith.constant 0 : index
        %get3A_400 = tpu.vector_load %arg12[%get3A_398, %get3A_399] {strides = array<i32>} : memref<2048x16xf32, #tpu.memory_space<vmem>>, vector<1x16xf32>,
        %get3A_401 = vector.shape_cast %get3A_400 : vector<1x16xf32> to vector<16xf32>
        %mul3A_402 = vector.broadcast %squeeze3A_395 : f32 to vector<16xf32>
        %mul3A_403 = arith.mulf %mul3A_402, %get3A_401 : vector<16xf32>
        %add3A_404 = arith.addf %mul3A_393, %mul3A_403 : vector<16xf32>
        %slice3A_405 = vector.extract_strided_slice %get3A_326 {offsets = [1], sizes = [1], strides = [1]} : vector<16xf32> to vector<1xf32>
        %squeeze3A_406 = vector.extract %slice3A_405[0] : f32 from vector<1xf32>
        %add3A_407 = arith.constant 1024 : i32
        %add3A_408 = arith.addi %add3A_407, %add3A_385 : i32
        %get3A_409 = arith.index_cast %add3A_408 : i32 to index
        %get3A_410 = arith.constant 0 : index
        %get3A_411 = tpu.vector_load %arg12[%get3A_409, %get3A_410] {strides = array<i32>} : memref<2048x16xf32, #tpu.memory_space<vmem>>, vector<1x16xf32>,
        %get3A_412 = vector.shape_cast %get3A_411 : vector<1x16xf32> to vector<16xf32>
        %mul3A_413 = vector.broadcast %squeeze3A_406 : f32 to vector<16xf32>
        %mul3A_414 = arith.mulf %mul3A_413, %get3A_412 : vector<16xf32>
        %add3A_415 = arith.addf %add3A_404, %mul3A_414 : vector<16xf32>
        %slice3A_416 = vector.extract_strided_slice %get3A_331 {offsets = [1], sizes = [1], strides = [1]} : vector<16xf32> to vector<1xf32>
        %squeeze3A_417 = vector.extract %slice3A_416[0] : f32 from vector<1xf32>
        %add3A_418 = arith.constant 1536 : i32
        %add3A_419 = arith.addi %add3A_418, %add3A_385 : i32
        %get3A_420 = arith.index_cast %add3A_419 : i32 to index
        %get3A_421 = arith.constant 0 : index
        %get3A_422 = tpu.vector_load %arg12[%get3A_420, %get3A_421] {strides = array<i32>} : memref<2048x16xf32, #tpu.memory_space<vmem>>, vector<1x16xf32>,
        %get3A_423 = vector.shape_cast %get3A_422 : vector<1x16xf32> to vector<16xf32>
        %mul3A_424 = vector.broadcast %squeeze3A_417 : f32 to vector<16xf32>
        %mul3A_425 = arith.mulf %mul3A_424, %get3A_423 : vector<16xf32>
        %add3A_426 = arith.addf %add3A_415, %mul3A_425 : vector<16xf32>
        %get3A_427 = arith.index_cast %add3A_385 : i32 to index
        %get3A_428 = arith.constant 0 : index
        %get3A_429 = tpu.vector_load %arg13[%get3A_427, %get3A_428] {strides = array<i32>} : memref<512x16xf32, #tpu.memory_space<vmem>>, vector<1x16xf32>,
        %get3A_430 = vector.shape_cast %get3A_429 : vector<1x16xf32> to vector<16xf32>
        %max3A_431 = arith.maximumf %get3A_430, %add3A_426 : vector<16xf32>
        %select_n3A_432 = arith.select %eq3A_299, %add3A_426, %max3A_431 : vector<16xf32>
        %swap3A_433 = arith.index_cast %add3A_385 : i32 to index
        %swap3A_434 = arith.constant 0 : index
        %swap3A_435 = tpu.vector_load %arg13[%swap3A_433, %swap3A_434] {strides = array<i32>} : memref<512x16xf32, #tpu.memory_space<vmem>>, vector<1x16xf32>,
        %swap3A_436 = vector.shape_cast %swap3A_435 : vector<1x16xf32> to vector<16xf32>
        %swap3A_437 = vector.shape_cast %select_n3A_432 : vector<16xf32> to vector<1x16xf32>
        tpu.vector_store %arg13[%swap3A_433, %swap3A_434], %swap3A_437 {strides = array<i32>} : memref<512x16xf32, #tpu.memory_space<vmem>>, vector<1x16xf32>,
        %add3A_438 = arith.constant 2 : i32
        %add3A_439 = arith.addi %mul3A_311, %add3A_438 : i32
        %slice3A_440 = vector.extract_strided_slice %get3A_316 {offsets = [2], sizes = [1], strides = [1]} : vector<16xf32> to vector<1xf32>
        %squeeze3A_441 = vector.extract %slice3A_440[0] : f32 from vector<1xf32>
        %get3A_442 = arith.index_cast %add3A_439 : i32 to index
        %get3A_443 = arith.constant 0 : index
        %get3A_444 = tpu.vector_load %arg12[%get3A_442, %get3A_443] {strides = array<i32>} : memref<2048x16xf32, #tpu.memory_space<vmem>>, vector<1x16xf32>,
        %get3A_445 = vector.shape_cast %get3A_444 : vector<1x16xf32> to vector<16xf32>
        %mul3A_446 = vector.broadcast %squeeze3A_441 : f32 to vector<16xf32>
        %mul3A_447 = arith.mulf %mul3A_446, %get3A_445 : vector<16xf32>
        %slice3A_448 = vector.extract_strided_slice %get3A_321 {offsets = [2], sizes = [1], strides = [1]} : vector<16xf32> to vector<1xf32>
        %squeeze3A_449 = vector.extract %slice3A_448[0] : f32 from vector<1xf32>
        %add3A_450 = arith.constant 512 : i32
        %add3A_451 = arith.addi %add3A_450, %add3A_439 : i32
        %get3A_452 = arith.index_cast %add3A_451 : i32 to index
        %get3A_453 = arith.constant 0 : index
        %get3A_454 = tpu.vector_load %arg12[%get3A_452, %get3A_453] {strides = array<i32>} : memref<2048x16xf32, #tpu.memory_space<vmem>>, vector<1x16xf32>,
        %get3A_455 = vector.shape_cast %get3A_454 : vector<1x16xf32> to vector<16xf32>
        %mul3A_456 = vector.broadcast %squeeze3A_449 : f32 to vector<16xf32>
        %mul3A_457 = arith.mulf %mul3A_456, %get3A_455 : vector<16xf32>
        %add3A_458 = arith.addf %mul3A_447, %mul3A_457 : vector<16xf32>
        %slice3A_459 = vector.extract_strided_slice %get3A_326 {offsets = [2], sizes = [1], strides = [1]} : vector<16xf32> to vector<1xf32>
        %squeeze3A_460 = vector.extract %slice3A_459[0] : f32 from vector<1xf32>
        %add3A_461 = arith.constant 1024 : i32
        %add3A_462 = arith.addi %add3A_461, %add3A_439 : i32
        %get3A_463 = arith.index_cast %add3A_462 : i32 to index
        %get3A_464 = arith.constant 0 : index
        %get3A_465 = tpu.vector_load %arg12[%get3A_463, %get3A_464] {strides = array<i32>} : memref<2048x16xf32, #tpu.memory_space<vmem>>, vector<1x16xf32>,
        %get3A_466 = vector.shape_cast %get3A_465 : vector<1x16xf32> to vector<16xf32>
        %mul3A_467 = vector.broadcast %squeeze3A_460 : f32 to vector<16xf32>
        %mul3A_468 = arith.mulf %mul3A_467, %get3A_466 : vector<16xf32>
        %add3A_469 = arith.addf %add3A_458, %mul3A_468 : vector<16xf32>
        %slice3A_470 = vector.extract_strided_slice %get3A_331 {offsets = [2], sizes = [1], strides = [1]} : vector<16xf32> to vector<1xf32>
        %squeeze3A_471 = vector.extract %slice3A_470[0] : f32 from vector<1xf32>
        %add3A_472 = arith.constant 1536 : i32
        %add3A_473 = arith.addi %add3A_472, %add3A_439 : i32
        %get3A_474 = arith.index_cast %add3A_473 : i32 to index
        %get3A_475 = arith.constant 0 : index
        %get3A_476 = tpu.vector_load %arg12[%get3A_474, %get3A_475] {strides = array<i32>} : memref<2048x16xf32, #tpu.memory_space<vmem>>, vector<1x16xf32>,
        %get3A_477 = vector.shape_cast %get3A_476 : vector<1x16xf32> to vector<16xf32>
        %mul3A_478 = vector.broadcast %squeeze3A_471 : f32 to vector<16xf32>
        %mul3A_479 = arith.mulf %mul3A_478, %get3A_477 : vector<16xf32>
        %add3A_480 = arith.addf %add3A_469, %mul3A_479 : vector<16xf32>
        %get3A_481 = arith.index_cast %add3A_439 : i32 to index
        %get3A_482 = arith.constant 0 : index
        %get3A_483 = tpu.vector_load %arg13[%get3A_481, %get3A_482] {strides = array<i32>} : memref<512x16xf32, #tpu.memory_space<vmem>>, vector<1x16xf32>,
        %get3A_484 = vector.shape_cast %get3A_483 : vector<1x16xf32> to vector<16xf32>
        %max3A_485 = arith.maximumf %get3A_484, %add3A_480 : vector<16xf32>
        %select_n3A_486 = arith.select %eq3A_299, %add3A_480, %max3A_485 : vector<16xf32>
        %swap3A_487 = arith.index_cast %add3A_439 : i32 to index
        %swap3A_488 = arith.constant 0 : index
        %swap3A_489 = tpu.vector_load %arg13[%swap3A_487, %swap3A_488] {strides = array<i32>} : memref<512x16xf32, #tpu.memory_space<vmem>>, vector<1x16xf32>,
        %swap3A_490 = vector.shape_cast %swap3A_489 : vector<1x16xf32> to vector<16xf32>
        %swap3A_491 = vector.shape_cast %select_n3A_486 : vector<16xf32> to vector<1x16xf32>
        tpu.vector_store %arg13[%swap3A_487, %swap3A_488], %swap3A_491 {strides = array<i32>} : memref<512x16xf32, #tpu.memory_space<vmem>>, vector<1x16xf32>,
        %add3A_492 = arith.constant 3 : i32
        %add3A_493 = arith.addi %mul3A_311, %add3A_492 : i32
        %slice3A_494 = vector.extract_strided_slice %get3A_316 {offsets = [3], sizes = [1], strides = [1]} : vector<16xf32> to vector<1xf32>
        %squeeze3A_495 = vector.extract %slice3A_494[0] : f32 from vector<1xf32>
        %get3A_496 = arith.index_cast %add3A_493 : i32 to index
        %get3A_497 = arith.constant 0 : index
        %get3A_498 = tpu.vector_load %arg12[%get3A_496, %get3A_497] {strides = array<i32>} : memref<2048x16xf32, #tpu.memory_space<vmem>>, vector<1x16xf32>,
        %get3A_499 = vector.shape_cast %get3A_498 : vector<1x16xf32> to vector<16xf32>
        %mul3A_500 = vector.broadcast %squeeze3A_495 : f32 to vector<16xf32>
        %mul3A_501 = arith.mulf %mul3A_500, %get3A_499 : vector<16xf32>
        %slice3A_502 = vector.extract_strided_slice %get3A_321 {offsets = [3], sizes = [1], strides = [1]} : vector<16xf32> to vector<1xf32>
        %squeeze3A_503 = vector.extract %slice3A_502[0] : f32 from vector<1xf32>
        %add3A_504 = arith.constant 512 : i32
        %add3A_505 = arith.addi %add3A_504, %add3A_493 : i32
        %get3A_506 = arith.index_cast %add3A_505 : i32 to index
        %get3A_507 = arith.constant 0 : index
        %get3A_508 = tpu.vector_load %arg12[%get3A_506, %get3A_507] {strides = array<i32>} : memref<2048x16xf32, #tpu.memory_space<vmem>>, vector<1x16xf32>,
        %get3A_509 = vector.shape_cast %get3A_508 : vector<1x16xf32> to vector<16xf32>
        %mul3A_510 = vector.broadcast %squeeze3A_503 : f32 to vector<16xf32>
        %mul3A_511 = arith.mulf %mul3A_510, %get3A_509 : vector<16xf32>
        %add3A_512 = arith.addf %mul3A_501, %mul3A_511 : vector<16xf32>
        %slice3A_513 = vector.extract_strided_slice %get3A_326 {offsets = [3], sizes = [1], strides = [1]} : vector<16xf32> to vector<1xf32>
        %squeeze3A_514 = vector.extract %slice3A_513[0] : f32 from vector<1xf32>
        %add3A_515 = arith.constant 1024 : i32
        %add3A_516 = arith.addi %add3A_515, %add3A_493 : i32
        %get3A_517 = arith.index_cast %add3A_516 : i32 to index
        %get3A_518 = arith.constant 0 : index
        %get3A_519 = tpu.vector_load %arg12[%get3A_517, %get3A_518] {strides = array<i32>} : memref<2048x16xf32, #tpu.memory_space<vmem>>, vector<1x16xf32>,
        %get3A_520 = vector.shape_cast %get3A_519 : vector<1x16xf32> to vector<16xf32>
        %mul3A_521 = vector.broadcast %squeeze3A_514 : f32 to vector<16xf32>
        %mul3A_522 = arith.mulf %mul3A_521, %get3A_520 : vector<16xf32>
        %add3A_523 = arith.addf %add3A_512, %mul3A_522 : vector<16xf32>
        %slice3A_524 = vector.extract_strided_slice %get3A_331 {offsets = [3], sizes = [1], strides = [1]} : vector<16xf32> to vector<1xf32>
        %squeeze3A_525 = vector.extract %slice3A_524[0] : f32 from vector<1xf32>
        %add3A_526 = arith.constant 1536 : i32
        %add3A_527 = arith.addi %add3A_526, %add3A_493 : i32
        %get3A_528 = arith.index_cast %add3A_527 : i32 to index
        %get3A_529 = arith.constant 0 : index
        %get3A_530 = tpu.vector_load %arg12[%get3A_528, %get3A_529] {strides = array<i32>} : memref<2048x16xf32, #tpu.memory_space<vmem>>, vector<1x16xf32>,
        %get3A_531 = vector.shape_cast %get3A_530 : vector<1x16xf32> to vector<16xf32>
        %mul3A_532 = vector.broadcast %squeeze3A_525 : f32 to vector<16xf32>
        %mul3A_533 = arith.mulf %mul3A_532, %get3A_531 : vector<16xf32>
        %add3A_534 = arith.addf %add3A_523, %mul3A_533 : vector<16xf32>
        %get3A_535 = arith.index_cast %add3A_493 : i32 to index
        %get3A_536 = arith.constant 0 : index
        %get3A_537 = tpu.vector_load %arg13[%get3A_535, %get3A_536] {strides = array<i32>} : memref<512x16xf32, #tpu.memory_space<vmem>>, vector<1x16xf32>,
        %get3A_538 = vector.shape_cast %get3A_537 : vector<1x16xf32> to vector<16xf32>
        %max3A_539 = arith.maximumf %get3A_538, %add3A_534 : vector<16xf32>
        %select_n3A_540 = arith.select %eq3A_299, %add3A_534, %max3A_539 : vector<16xf32>
        %swap3A_541 = arith.index_cast %add3A_493 : i32 to index
        %swap3A_542 = arith.constant 0 : index
        %swap3A_543 = tpu.vector_load %arg13[%swap3A_541, %swap3A_542] {strides = array<i32>} : memref<512x16xf32, #tpu.memory_space<vmem>>, vector<1x16xf32>,
        %swap3A_544 = vector.shape_cast %swap3A_543 : vector<1x16xf32> to vector<16xf32>
        %swap3A_545 = vector.shape_cast %select_n3A_540 : vector<16xf32> to vector<1x16xf32>
        tpu.vector_store %arg13[%swap3A_541, %swap3A_542], %swap3A_545 {strides = array<i32>} : memref<512x16xf32, #tpu.memory_space<vmem>>, vector<1x16xf32>,
        %add3A_546 = arith.constant 4 : i32
        %add3A_547 = arith.addi %mul3A_311, %add3A_546 : i32
        %slice3A_548 = vector.extract_strided_slice %get3A_316 {offsets = [4], sizes = [1], strides = [1]} : vector<16xf32> to vector<1xf32>
        %squeeze3A_549 = vector.extract %slice3A_548[0] : f32 from vector<1xf32>
        %get3A_550 = arith.index_cast %add3A_547 : i32 to index
        %get3A_551 = arith.constant 0 : index
        %get3A_552 = tpu.vector_load %arg12[%get3A_550, %get3A_551] {strides = array<i32>} : memref<2048x16xf32, #tpu.memory_space<vmem>>, vector<1x16xf32>,
        %get3A_553 = vector.shape_cast %get3A_552 : vector<1x16xf32> to vector<16xf32>
        %mul3A_554 = vector.broadcast %squeeze3A_549 : f32 to vector<16xf32>
        %mul3A_555 = arith.mulf %mul3A_554, %get3A_553 : vector<16xf32>
        %slice3A_556 = vector.extract_strided_slice %get3A_321 {offsets = [4], sizes = [1], strides = [1]} : vector<16xf32> to vector<1xf32>
        %squeeze3A_557 = vector.extract %slice3A_556[0] : f32 from vector<1xf32>
        %add3A_558 = arith.constant 512 : i32
        %add3A_559 = arith.addi %add3A_558, %add3A_547 : i32
        %get3A_560 = arith.index_cast %add3A_559 : i32 to index
        %get3A_561 = arith.constant 0 : index
        %get3A_562 = tpu.vector_load %arg12[%get3A_560, %get3A_561] {strides = array<i32>} : memref<2048x16xf32, #tpu.memory_space<vmem>>, vector<1x16xf32>,
        %get3A_563 = vector.shape_cast %get3A_562 : vector<1x16xf32> to vector<16xf32>
        %mul3A_564 = vector.broadcast %squeeze3A_557 : f32 to vector<16xf32>
        %mul3A_565 = arith.mulf %mul3A_564, %get3A_563 : vector<16xf32>
        %add3A_566 = arith.addf %mul3A_555, %mul3A_565 : vector<16xf32>
        %slice3A_567 = vector.extract_strided_slice %get3A_326 {offsets = [4], sizes = [1], strides = [1]} : vector<16xf32> to vector<1xf32>
        %squeeze3A_568 = vector.extract %slice3A_567[0] : f32 from vector<1xf32>
        %add3A_569 = arith.constant 1024 : i32
        %add3A_570 = arith.addi %add3A_569, %add3A_547 : i32
        %get3A_571 = arith.index_cast %add3A_570 : i32 to index
        %get3A_572 = arith.constant 0 : index
        %get3A_573 = tpu.vector_load %arg12[%get3A_571, %get3A_572] {strides = array<i32>} : memref<2048x16xf32, #tpu.memory_space<vmem>>, vector<1x16xf32>,
        %get3A_574 = vector.shape_cast %get3A_573 : vector<1x16xf32> to vector<16xf32>
        %mul3A_575 = vector.broadcast %squeeze3A_568 : f32 to vector<16xf32>
        %mul3A_576 = arith.mulf %mul3A_575, %get3A_574 : vector<16xf32>
        %add3A_577 = arith.addf %add3A_566, %mul3A_576 : vector<16xf32>
        %slice3A_578 = vector.extract_strided_slice %get3A_331 {offsets = [4], sizes = [1], strides = [1]} : vector<16xf32> to vector<1xf32>
        %squeeze3A_579 = vector.extract %slice3A_578[0] : f32 from vector<1xf32>
        %add3A_580 = arith.constant 1536 : i32
        %add3A_581 = arith.addi %add3A_580, %add3A_547 : i32
        %get3A_582 = arith.index_cast %add3A_581 : i32 to index
        %get3A_583 = arith.constant 0 : index
        %get3A_584 = tpu.vector_load %arg12[%get3A_582, %get3A_583] {strides = array<i32>} : memref<2048x16xf32, #tpu.memory_space<vmem>>, vector<1x16xf32>,
        %get3A_585 = vector.shape_cast %get3A_584 : vector<1x16xf32> to vector<16xf32>
        %mul3A_586 = vector.broadcast %squeeze3A_579 : f32 to vector<16xf32>
        %mul3A_587 = arith.mulf %mul3A_586, %get3A_585 : vector<16xf32>
        %add3A_588 = arith.addf %add3A_577, %mul3A_587 : vector<16xf32>
        %get3A_589 = arith.index_cast %add3A_547 : i32 to index
        %get3A_590 = arith.constant 0 : index
        %get3A_591 = tpu.vector_load %arg13[%get3A_589, %get3A_590] {strides = array<i32>} : memref<512x16xf32, #tpu.memory_space<vmem>>, vector<1x16xf32>,
        %get3A_592 = vector.shape_cast %get3A_591 : vector<1x16xf32> to vector<16xf32>
        %max3A_593 = arith.maximumf %get3A_592, %add3A_588 : vector<16xf32>
        %select_n3A_594 = arith.select %eq3A_299, %add3A_588, %max3A_593 : vector<16xf32>
        %swap3A_595 = arith.index_cast %add3A_547 : i32 to index
        %swap3A_596 = arith.constant 0 : index
        %swap3A_597 = tpu.vector_load %arg13[%swap3A_595, %swap3A_596] {strides = array<i32>} : memref<512x16xf32, #tpu.memory_space<vmem>>, vector<1x16xf32>,
        %swap3A_598 = vector.shape_cast %swap3A_597 : vector<1x16xf32> to vector<16xf32>
        %swap3A_599 = vector.shape_cast %select_n3A_594 : vector<16xf32> to vector<1x16xf32>
        tpu.vector_store %arg13[%swap3A_595, %swap3A_596], %swap3A_599 {strides = array<i32>} : memref<512x16xf32, #tpu.memory_space<vmem>>, vector<1x16xf32>,
        %add3A_600 = arith.constant 5 : i32
        %add3A_601 = arith.addi %mul3A_311, %add3A_600 : i32
        %slice3A_602 = vector.extract_strided_slice %get3A_316 {offsets = [5], sizes = [1], strides = [1]} : vector<16xf32> to vector<1xf32>
        %squeeze3A_603 = vector.extract %slice3A_602[0] : f32 from vector<1xf32>
        %get3A_604 = arith.index_cast %add3A_601 : i32 to index
        %get3A_605 = arith.constant 0 : index
        %get3A_606 = tpu.vector_load %arg12[%get3A_604, %get3A_605] {strides = array<i32>} : memref<2048x16xf32, #tpu.memory_space<vmem>>, vector<1x16xf32>,
        %get3A_607 = vector.shape_cast %get3A_606 : vector<1x16xf32> to vector<16xf32>
        %mul3A_608 = vector.broadcast %squeeze3A_603 : f32 to vector<16xf32>
        %mul3A_609 = arith.mulf %mul3A_608, %get3A_607 : vector<16xf32>
        %slice3A_610 = vector.extract_strided_slice %get3A_321 {offsets = [5], sizes = [1], strides = [1]} : vector<16xf32> to vector<1xf32>
        %squeeze3A_611 = vector.extract %slice3A_610[0] : f32 from vector<1xf32>
        %add3A_612 = arith.constant 512 : i32
        %add3A_613 = arith.addi %add3A_612, %add3A_601 : i32
        %get3A_614 = arith.index_cast %add3A_613 : i32 to index
        %get3A_615 = arith.constant 0 : index
        %get3A_616 = tpu.vector_load %arg12[%get3A_614, %get3A_615] {strides = array<i32>} : memref<2048x16xf32, #tpu.memory_space<vmem>>, vector<1x16xf32>,
        %get3A_617 = vector.shape_cast %get3A_616 : vector<1x16xf32> to vector<16xf32>
        %mul3A_618 = vector.broadcast %squeeze3A_611 : f32 to vector<16xf32>
        %mul3A_619 = arith.mulf %mul3A_618, %get3A_617 : vector<16xf32>
        %add3A_620 = arith.addf %mul3A_609, %mul3A_619 : vector<16xf32>
        %slice3A_621 = vector.extract_strided_slice %get3A_326 {offsets = [5], sizes = [1], strides = [1]} : vector<16xf32> to vector<1xf32>
        %squeeze3A_622 = vector.extract %slice3A_621[0] : f32 from vector<1xf32>
        %add3A_623 = arith.constant 1024 : i32
        %add3A_624 = arith.addi %add3A_623, %add3A_601 : i32
        %get3A_625 = arith.index_cast %add3A_624 : i32 to index
        %get3A_626 = arith.constant 0 : index
        %get3A_627 = tpu.vector_load %arg12[%get3A_625, %get3A_626] {strides = array<i32>} : memref<2048x16xf32, #tpu.memory_space<vmem>>, vector<1x16xf32>,
        %get3A_628 = vector.shape_cast %get3A_627 : vector<1x16xf32> to vector<16xf32>
        %mul3A_629 = vector.broadcast %squeeze3A_622 : f32 to vector<16xf32>
        %mul3A_630 = arith.mulf %mul3A_629, %get3A_628 : vector<16xf32>
        %add3A_631 = arith.addf %add3A_620, %mul3A_630 : vector<16xf32>
        %slice3A_632 = vector.extract_strided_slice %get3A_331 {offsets = [5], sizes = [1], strides = [1]} : vector<16xf32> to vector<1xf32>
        %squeeze3A_633 = vector.extract %slice3A_632[0] : f32 from vector<1xf32>
        %add3A_634 = arith.constant 1536 : i32
        %add3A_635 = arith.addi %add3A_634, %add3A_601 : i32
        %get3A_636 = arith.index_cast %add3A_635 : i32 to index
        %get3A_637 = arith.constant 0 : index
        %get3A_638 = tpu.vector_load %arg12[%get3A_636, %get3A_637] {strides = array<i32>} : memref<2048x16xf32, #tpu.memory_space<vmem>>, vector<1x16xf32>,
        %get3A_639 = vector.shape_cast %get3A_638 : vector<1x16xf32> to vector<16xf32>
        %mul3A_640 = vector.broadcast %squeeze3A_633 : f32 to vector<16xf32>
        %mul3A_641 = arith.mulf %mul3A_640, %get3A_639 : vector<16xf32>
        %add3A_642 = arith.addf %add3A_631, %mul3A_641 : vector<16xf32>
        %get3A_643 = arith.index_cast %add3A_601 : i32 to index
        %get3A_644 = arith.constant 0 : index
        %get3A_645 = tpu.vector_load %arg13[%get3A_643, %get3A_644] {strides = array<i32>} : memref<512x16xf32, #tpu.memory_space<vmem>>, vector<1x16xf32>,
        %get3A_646 = vector.shape_cast %get3A_645 : vector<1x16xf32> to vector<16xf32>
        %max3A_647 = arith.maximumf %get3A_646, %add3A_642 : vector<16xf32>
        %select_n3A_648 = arith.select %eq3A_299, %add3A_642, %max3A_647 : vector<16xf32>
        %swap3A_649 = arith.index_cast %add3A_601 : i32 to index
        %swap3A_650 = arith.constant 0 : index
        %swap3A_651 = tpu.vector_load %arg13[%swap3A_649, %swap3A_650] {strides = array<i32>} : memref<512x16xf32, #tpu.memory_space<vmem>>, vector<1x16xf32>,
        %swap3A_652 = vector.shape_cast %swap3A_651 : vector<1x16xf32> to vector<16xf32>
        %swap3A_653 = vector.shape_cast %select_n3A_648 : vector<16xf32> to vector<1x16xf32>
        tpu.vector_store %arg13[%swap3A_649, %swap3A_650], %swap3A_653 {strides = array<i32>} : memref<512x16xf32, #tpu.memory_space<vmem>>, vector<1x16xf32>,
        %add3A_654 = arith.constant 6 : i32
        %add3A_655 = arith.addi %mul3A_311, %add3A_654 : i32
        %slice3A_656 = vector.extract_strided_slice %get3A_316 {offsets = [6], sizes = [1], strides = [1]} : vector<16xf32> to vector<1xf32>
        %squeeze3A_657 = vector.extract %slice3A_656[0] : f32 from vector<1xf32>
        %get3A_658 = arith.index_cast %add3A_655 : i32 to index
        %get3A_659 = arith.constant 0 : index
        %get3A_660 = tpu.vector_load %arg12[%get3A_658, %get3A_659] {strides = array<i32>} : memref<2048x16xf32, #tpu.memory_space<vmem>>, vector<1x16xf32>,
        %get3A_661 = vector.shape_cast %get3A_660 : vector<1x16xf32> to vector<16xf32>
        %mul3A_662 = vector.broadcast %squeeze3A_657 : f32 to vector<16xf32>
        %mul3A_663 = arith.mulf %mul3A_662, %get3A_661 : vector<16xf32>
        %slice3A_664 = vector.extract_strided_slice %get3A_321 {offsets = [6], sizes = [1], strides = [1]} : vector<16xf32> to vector<1xf32>
        %squeeze3A_665 = vector.extract %slice3A_664[0] : f32 from vector<1xf32>
        %add3A_666 = arith.constant 512 : i32
        %add3A_667 = arith.addi %add3A_666, %add3A_655 : i32
        %get3A_668 = arith.index_cast %add3A_667 : i32 to index
        %get3A_669 = arith.constant 0 : index
        %get3A_670 = tpu.vector_load %arg12[%get3A_668, %get3A_669] {strides = array<i32>} : memref<2048x16xf32, #tpu.memory_space<vmem>>, vector<1x16xf32>,
        %get3A_671 = vector.shape_cast %get3A_670 : vector<1x16xf32> to vector<16xf32>
        %mul3A_672 = vector.broadcast %squeeze3A_665 : f32 to vector<16xf32>
        %mul3A_673 = arith.mulf %mul3A_672, %get3A_671 : vector<16xf32>
        %add3A_674 = arith.addf %mul3A_663, %mul3A_673 : vector<16xf32>
        %slice3A_675 = vector.extract_strided_slice %get3A_326 {offsets = [6], sizes = [1], strides = [1]} : vector<16xf32> to vector<1xf32>
        %squeeze3A_676 = vector.extract %slice3A_675[0] : f32 from vector<1xf32>
        %add3A_677 = arith.constant 1024 : i32
        %add3A_678 = arith.addi %add3A_677, %add3A_655 : i32
        %get3A_679 = arith.index_cast %add3A_678 : i32 to index
        %get3A_680 = arith.constant 0 : index
        %get3A_681 = tpu.vector_load %arg12[%get3A_679, %get3A_680] {strides = array<i32>} : memref<2048x16xf32, #tpu.memory_space<vmem>>, vector<1x16xf32>,
        %get3A_682 = vector.shape_cast %get3A_681 : vector<1x16xf32> to vector<16xf32>
        %mul3A_683 = vector.broadcast %squeeze3A_676 : f32 to vector<16xf32>
        %mul3A_684 = arith.mulf %mul3A_683, %get3A_682 : vector<16xf32>
        %add3A_685 = arith.addf %add3A_674, %mul3A_684 : vector<16xf32>
        %slice3A_686 = vector.extract_strided_slice %get3A_331 {offsets = [6], sizes = [1], strides = [1]} : vector<16xf32> to vector<1xf32>
        %squeeze3A_687 = vector.extract %slice3A_686[0] : f32 from vector<1xf32>
        %add3A_688 = arith.constant 1536 : i32
        %add3A_689 = arith.addi %add3A_688, %add3A_655 : i32
        %get3A_690 = arith.index_cast %add3A_689 : i32 to index
        %get3A_691 = arith.constant 0 : index
        %get3A_692 = tpu.vector_load %arg12[%get3A_690, %get3A_691] {strides = array<i32>} : memref<2048x16xf32, #tpu.memory_space<vmem>>, vector<1x16xf32>,
        %get3A_693 = vector.shape_cast %get3A_692 : vector<1x16xf32> to vector<16xf32>
        %mul3A_694 = vector.broadcast %squeeze3A_687 : f32 to vector<16xf32>
        %mul3A_695 = arith.mulf %mul3A_694, %get3A_693 : vector<16xf32>
        %add3A_696 = arith.addf %add3A_685, %mul3A_695 : vector<16xf32>
        %get3A_697 = arith.index_cast %add3A_655 : i32 to index
        %get3A_698 = arith.constant 0 : index
        %get3A_699 = tpu.vector_load %arg13[%get3A_697, %get3A_698] {strides = array<i32>} : memref<512x16xf32, #tpu.memory_space<vmem>>, vector<1x16xf32>,
        %get3A_700 = vector.shape_cast %get3A_699 : vector<1x16xf32> to vector<16xf32>
        %max3A_701 = arith.maximumf %get3A_700, %add3A_696 : vector<16xf32>
        %select_n3A_702 = arith.select %eq3A_299, %add3A_696, %max3A_701 : vector<16xf32>
        %swap3A_703 = arith.index_cast %add3A_655 : i32 to index
        %swap3A_704 = arith.constant 0 : index
        %swap3A_705 = tpu.vector_load %arg13[%swap3A_703, %swap3A_704] {strides = array<i32>} : memref<512x16xf32, #tpu.memory_space<vmem>>, vector<1x16xf32>,
        %swap3A_706 = vector.shape_cast %swap3A_705 : vector<1x16xf32> to vector<16xf32>
        %swap3A_707 = vector.shape_cast %select_n3A_702 : vector<16xf32> to vector<1x16xf32>
        tpu.vector_store %arg13[%swap3A_703, %swap3A_704], %swap3A_707 {strides = array<i32>} : memref<512x16xf32, #tpu.memory_space<vmem>>, vector<1x16xf32>,
        %add3A_708 = arith.constant 7 : i32
        %add3A_709 = arith.addi %mul3A_311, %add3A_708 : i32
        %slice3A_710 = vector.extract_strided_slice %get3A_316 {offsets = [7], sizes = [1], strides = [1]} : vector<16xf32> to vector<1xf32>
        %squeeze3A_711 = vector.extract %slice3A_710[0] : f32 from vector<1xf32>
        %get3A_712 = arith.index_cast %add3A_709 : i32 to index
        %get3A_713 = arith.constant 0 : index
        %get3A_714 = tpu.vector_load %arg12[%get3A_712, %get3A_713] {strides = array<i32>} : memref<2048x16xf32, #tpu.memory_space<vmem>>, vector<1x16xf32>,
        %get3A_715 = vector.shape_cast %get3A_714 : vector<1x16xf32> to vector<16xf32>
        %mul3A_716 = vector.broadcast %squeeze3A_711 : f32 to vector<16xf32>
        %mul3A_717 = arith.mulf %mul3A_716, %get3A_715 : vector<16xf32>
        %slice3A_718 = vector.extract_strided_slice %get3A_321 {offsets = [7], sizes = [1], strides = [1]} : vector<16xf32> to vector<1xf32>
        %squeeze3A_719 = vector.extract %slice3A_718[0] : f32 from vector<1xf32>
        %add3A_720 = arith.constant 512 : i32
        %add3A_721 = arith.addi %add3A_720, %add3A_709 : i32
        %get3A_722 = arith.index_cast %add3A_721 : i32 to index
        %get3A_723 = arith.constant 0 : index
        %get3A_724 = tpu.vector_load %arg12[%get3A_722, %get3A_723] {strides = array<i32>} : memref<2048x16xf32, #tpu.memory_space<vmem>>, vector<1x16xf32>,
        %get3A_725 = vector.shape_cast %get3A_724 : vector<1x16xf32> to vector<16xf32>
        %mul3A_726 = vector.broadcast %squeeze3A_719 : f32 to vector<16xf32>
        %mul3A_727 = arith.mulf %mul3A_726, %get3A_725 : vector<16xf32>
        %add3A_728 = arith.addf %mul3A_717, %mul3A_727 : vector<16xf32>
        %slice3A_729 = vector.extract_strided_slice %get3A_326 {offsets = [7], sizes = [1], strides = [1]} : vector<16xf32> to vector<1xf32>
        %squeeze3A_730 = vector.extract %slice3A_729[0] : f32 from vector<1xf32>
        %add3A_731 = arith.constant 1024 : i32
        %add3A_732 = arith.addi %add3A_731, %add3A_709 : i32
        %get3A_733 = arith.index_cast %add3A_732 : i32 to index
        %get3A_734 = arith.constant 0 : index
        %get3A_735 = tpu.vector_load %arg12[%get3A_733, %get3A_734] {strides = array<i32>} : memref<2048x16xf32, #tpu.memory_space<vmem>>, vector<1x16xf32>,
        %get3A_736 = vector.shape_cast %get3A_735 : vector<1x16xf32> to vector<16xf32>
        %mul3A_737 = vector.broadcast %squeeze3A_730 : f32 to vector<16xf32>
        %mul3A_738 = arith.mulf %mul3A_737, %get3A_736 : vector<16xf32>
        %add3A_739 = arith.addf %add3A_728, %mul3A_738 : vector<16xf32>
        %slice3A_740 = vector.extract_strided_slice %get3A_331 {offsets = [7], sizes = [1], strides = [1]} : vector<16xf32> to vector<1xf32>
        %squeeze3A_741 = vector.extract %slice3A_740[0] : f32 from vector<1xf32>
        %add3A_742 = arith.constant 1536 : i32
        %add3A_743 = arith.addi %add3A_742, %add3A_709 : i32
        %get3A_744 = arith.index_cast %add3A_743 : i32 to index
        %get3A_745 = arith.constant 0 : index
        %get3A_746 = tpu.vector_load %arg12[%get3A_744, %get3A_745] {strides = array<i32>} : memref<2048x16xf32, #tpu.memory_space<vmem>>, vector<1x16xf32>,
        %get3A_747 = vector.shape_cast %get3A_746 : vector<1x16xf32> to vector<16xf32>
        %mul3A_748 = vector.broadcast %squeeze3A_741 : f32 to vector<16xf32>
        %mul3A_749 = arith.mulf %mul3A_748, %get3A_747 : vector<16xf32>
        %add3A_750 = arith.addf %add3A_739, %mul3A_749 : vector<16xf32>
        %get3A_751 = arith.index_cast %add3A_709 : i32 to index
        %get3A_752 = arith.constant 0 : index
        %get3A_753 = tpu.vector_load %arg13[%get3A_751, %get3A_752] {strides = array<i32>} : memref<512x16xf32, #tpu.memory_space<vmem>>, vector<1x16xf32>,
        %get3A_754 = vector.shape_cast %get3A_753 : vector<1x16xf32> to vector<16xf32>
        %max3A_755 = arith.maximumf %get3A_754, %add3A_750 : vector<16xf32>
        %select_n3A_756 = arith.select %eq3A_299, %add3A_750, %max3A_755 : vector<16xf32>
        %swap3A_757 = arith.index_cast %add3A_709 : i32 to index
        %swap3A_758 = arith.constant 0 : index
        %swap3A_759 = tpu.vector_load %arg13[%swap3A_757, %swap3A_758] {strides = array<i32>} : memref<512x16xf32, #tpu.memory_space<vmem>>, vector<1x16xf32>,
        %swap3A_760 = vector.shape_cast %swap3A_759 : vector<1x16xf32> to vector<16xf32>
        %swap3A_761 = vector.shape_cast %select_n3A_756 : vector<16xf32> to vector<1x16xf32>
        tpu.vector_store %arg13[%swap3A_757, %swap3A_758], %swap3A_761 {strides = array<i32>} : memref<512x16xf32, #tpu.memory_space<vmem>>, vector<1x16xf32>,
        %add3A_762 = arith.constant 8 : i32
        %add3A_763 = arith.addi %mul3A_311, %add3A_762 : i32
        %slice3A_764 = vector.extract_strided_slice %get3A_316 {offsets = [8], sizes = [1], strides = [1]} : vector<16xf32> to vector<1xf32>
        %squeeze3A_765 = vector.extract %slice3A_764[0] : f32 from vector<1xf32>
        %get3A_766 = arith.index_cast %add3A_763 : i32 to index
        %get3A_767 = arith.constant 0 : index
        %get3A_768 = tpu.vector_load %arg12[%get3A_766, %get3A_767] {strides = array<i32>} : memref<2048x16xf32, #tpu.memory_space<vmem>>, vector<1x16xf32>,
        %get3A_769 = vector.shape_cast %get3A_768 : vector<1x16xf32> to vector<16xf32>
        %mul3A_770 = vector.broadcast %squeeze3A_765 : f32 to vector<16xf32>
        %mul3A_771 = arith.mulf %mul3A_770, %get3A_769 : vector<16xf32>
        %slice3A_772 = vector.extract_strided_slice %get3A_321 {offsets = [8], sizes = [1], strides = [1]} : vector<16xf32> to vector<1xf32>
        %squeeze3A_773 = vector.extract %slice3A_772[0] : f32 from vector<1xf32>
        %add3A_774 = arith.constant 512 : i32
        %add3A_775 = arith.addi %add3A_774, %add3A_763 : i32
        %get3A_776 = arith.index_cast %add3A_775 : i32 to index
        %get3A_777 = arith.constant 0 : index
        %get3A_778 = tpu.vector_load %arg12[%get3A_776, %get3A_777] {strides = array<i32>} : memref<2048x16xf32, #tpu.memory_space<vmem>>, vector<1x16xf32>,
        %get3A_779 = vector.shape_cast %get3A_778 : vector<1x16xf32> to vector<16xf32>
        %mul3A_780 = vector.broadcast %squeeze3A_773 : f32 to vector<16xf32>
        %mul3A_781 = arith.mulf %mul3A_780, %get3A_779 : vector<16xf32>
        %add3A_782 = arith.addf %mul3A_771, %mul3A_781 : vector<16xf32>
        %slice3A_783 = vector.extract_strided_slice %get3A_326 {offsets = [8], sizes = [1], strides = [1]} : vector<16xf32> to vector<1xf32>
        %squeeze3A_784 = vector.extract %slice3A_783[0] : f32 from vector<1xf32>
        %add3A_785 = arith.constant 1024 : i32
        %add3A_786 = arith.addi %add3A_785, %add3A_763 : i32
        %get3A_787 = arith.index_cast %add3A_786 : i32 to index
        %get3A_788 = arith.constant 0 : index
        %get3A_789 = tpu.vector_load %arg12[%get3A_787, %get3A_788] {strides = array<i32>} : memref<2048x16xf32, #tpu.memory_space<vmem>>, vector<1x16xf32>,
        %get3A_790 = vector.shape_cast %get3A_789 : vector<1x16xf32> to vector<16xf32>
        %mul3A_791 = vector.broadcast %squeeze3A_784 : f32 to vector<16xf32>
        %mul3A_792 = arith.mulf %mul3A_791, %get3A_790 : vector<16xf32>
        %add3A_793 = arith.addf %add3A_782, %mul3A_792 : vector<16xf32>
        %slice3A_794 = vector.extract_strided_slice %get3A_331 {offsets = [8], sizes = [1], strides = [1]} : vector<16xf32> to vector<1xf32>
        %squeeze3A_795 = vector.extract %slice3A_794[0] : f32 from vector<1xf32>
        %add3A_796 = arith.constant 1536 : i32
        %add3A_797 = arith.addi %add3A_796, %add3A_763 : i32
        %get3A_798 = arith.index_cast %add3A_797 : i32 to index
        %get3A_799 = arith.constant 0 : index
        %get3A_800 = tpu.vector_load %arg12[%get3A_798, %get3A_799] {strides = array<i32>} : memref<2048x16xf32, #tpu.memory_space<vmem>>, vector<1x16xf32>,
        %get3A_801 = vector.shape_cast %get3A_800 : vector<1x16xf32> to vector<16xf32>
        %mul3A_802 = vector.broadcast %squeeze3A_795 : f32 to vector<16xf32>
        %mul3A_803 = arith.mulf %mul3A_802, %get3A_801 : vector<16xf32>
        %add3A_804 = arith.addf %add3A_793, %mul3A_803 : vector<16xf32>
        %get3A_805 = arith.index_cast %add3A_763 : i32 to index
        %get3A_806 = arith.constant 0 : index
        %get3A_807 = tpu.vector_load %arg13[%get3A_805, %get3A_806] {strides = array<i32>} : memref<512x16xf32, #tpu.memory_space<vmem>>, vector<1x16xf32>,
        %get3A_808 = vector.shape_cast %get3A_807 : vector<1x16xf32> to vector<16xf32>
        %max3A_809 = arith.maximumf %get3A_808, %add3A_804 : vector<16xf32>
        %select_n3A_810 = arith.select %eq3A_299, %add3A_804, %max3A_809 : vector<16xf32>
        %swap3A_811 = arith.index_cast %add3A_763 : i32 to index
        %swap3A_812 = arith.constant 0 : index
        %swap3A_813 = tpu.vector_load %arg13[%swap3A_811, %swap3A_812] {strides = array<i32>} : memref<512x16xf32, #tpu.memory_space<vmem>>, vector<1x16xf32>,
        %swap3A_814 = vector.shape_cast %swap3A_813 : vector<1x16xf32> to vector<16xf32>
        %swap3A_815 = vector.shape_cast %select_n3A_810 : vector<16xf32> to vector<1x16xf32>
        tpu.vector_store %arg13[%swap3A_811, %swap3A_812], %swap3A_815 {strides = array<i32>} : memref<512x16xf32, #tpu.memory_space<vmem>>, vector<1x16xf32>,
        %add3A_816 = arith.constant 9 : i32
        %add3A_817 = arith.addi %mul3A_311, %add3A_816 : i32
        %slice3A_818 = vector.extract_strided_slice %get3A_316 {offsets = [9], sizes = [1], strides = [1]} : vector<16xf32> to vector<1xf32>
        %squeeze3A_819 = vector.extract %slice3A_818[0] : f32 from vector<1xf32>
        %get3A_820 = arith.index_cast %add3A_817 : i32 to index
        %get3A_821 = arith.constant 0 : index
        %get3A_822 = tpu.vector_load %arg12[%get3A_820, %get3A_821] {strides = array<i32>} : memref<2048x16xf32, #tpu.memory_space<vmem>>, vector<1x16xf32>,
        %get3A_823 = vector.shape_cast %get3A_822 : vector<1x16xf32> to vector<16xf32>
        %mul3A_824 = vector.broadcast %squeeze3A_819 : f32 to vector<16xf32>
        %mul3A_825 = arith.mulf %mul3A_824, %get3A_823 : vector<16xf32>
        %slice3A_826 = vector.extract_strided_slice %get3A_321 {offsets = [9], sizes = [1], strides = [1]} : vector<16xf32> to vector<1xf32>
        %squeeze3A_827 = vector.extract %slice3A_826[0] : f32 from vector<1xf32>
        %add3A_828 = arith.constant 512 : i32
        %add3A_829 = arith.addi %add3A_828, %add3A_817 : i32
        %get3A_830 = arith.index_cast %add3A_829 : i32 to index
        %get3A_831 = arith.constant 0 : index
        %get3A_832 = tpu.vector_load %arg12[%get3A_830, %get3A_831] {strides = array<i32>} : memref<2048x16xf32, #tpu.memory_space<vmem>>, vector<1x16xf32>,
        %get3A_833 = vector.shape_cast %get3A_832 : vector<1x16xf32> to vector<16xf32>
        %mul3A_834 = vector.broadcast %squeeze3A_827 : f32 to vector<16xf32>
        %mul3A_835 = arith.mulf %mul3A_834, %get3A_833 : vector<16xf32>
        %add3A_836 = arith.addf %mul3A_825, %mul3A_835 : vector<16xf32>
        %slice3A_837 = vector.extract_strided_slice %get3A_326 {offsets = [9], sizes = [1], strides = [1]} : vector<16xf32> to vector<1xf32>
        %squeeze3A_838 = vector.extract %slice3A_837[0] : f32 from vector<1xf32>
        %add3A_839 = arith.constant 1024 : i32
        %add3A_840 = arith.addi %add3A_839, %add3A_817 : i32
        %get3A_841 = arith.index_cast %add3A_840 : i32 to index
        %get3A_842 = arith.constant 0 : index
        %get3A_843 = tpu.vector_load %arg12[%get3A_841, %get3A_842] {strides = array<i32>} : memref<2048x16xf32, #tpu.memory_space<vmem>>, vector<1x16xf32>,
        %get3A_844 = vector.shape_cast %get3A_843 : vector<1x16xf32> to vector<16xf32>
        %mul3A_845 = vector.broadcast %squeeze3A_838 : f32 to vector<16xf32>
        %mul3A_846 = arith.mulf %mul3A_845, %get3A_844 : vector<16xf32>
        %add3A_847 = arith.addf %add3A_836, %mul3A_846 : vector<16xf32>
        %slice3A_848 = vector.extract_strided_slice %get3A_331 {offsets = [9], sizes = [1], strides = [1]} : vector<16xf32> to vector<1xf32>
        %squeeze3A_849 = vector.extract %slice3A_848[0] : f32 from vector<1xf32>
        %add3A_850 = arith.constant 1536 : i32
        %add3A_851 = arith.addi %add3A_850, %add3A_817 : i32
        %get3A_852 = arith.index_cast %add3A_851 : i32 to index
        %get3A_853 = arith.constant 0 : index
        %get3A_854 = tpu.vector_load %arg12[%get3A_852, %get3A_853] {strides = array<i32>} : memref<2048x16xf32, #tpu.memory_space<vmem>>, vector<1x16xf32>,
        %get3A_855 = vector.shape_cast %get3A_854 : vector<1x16xf32> to vector<16xf32>
        %mul3A_856 = vector.broadcast %squeeze3A_849 : f32 to vector<16xf32>
        %mul3A_857 = arith.mulf %mul3A_856, %get3A_855 : vector<16xf32>
        %add3A_858 = arith.addf %add3A_847, %mul3A_857 : vector<16xf32>
        %get3A_859 = arith.index_cast %add3A_817 : i32 to index
        %get3A_860 = arith.constant 0 : index
        %get3A_861 = tpu.vector_load %arg13[%get3A_859, %get3A_860] {strides = array<i32>} : memref<512x16xf32, #tpu.memory_space<vmem>>, vector<1x16xf32>,
        %get3A_862 = vector.shape_cast %get3A_861 : vector<1x16xf32> to vector<16xf32>
        %max3A_863 = arith.maximumf %get3A_862, %add3A_858 : vector<16xf32>
        %select_n3A_864 = arith.select %eq3A_299, %add3A_858, %max3A_863 : vector<16xf32>
        %swap3A_865 = arith.index_cast %add3A_817 : i32 to index
        %swap3A_866 = arith.constant 0 : index
        %swap3A_867 = tpu.vector_load %arg13[%swap3A_865, %swap3A_866] {strides = array<i32>} : memref<512x16xf32, #tpu.memory_space<vmem>>, vector<1x16xf32>,
        %swap3A_868 = vector.shape_cast %swap3A_867 : vector<1x16xf32> to vector<16xf32>
        %swap3A_869 = vector.shape_cast %select_n3A_864 : vector<16xf32> to vector<1x16xf32>
        tpu.vector_store %arg13[%swap3A_865, %swap3A_866], %swap3A_869 {strides = array<i32>} : memref<512x16xf32, #tpu.memory_space<vmem>>, vector<1x16xf32>,
        %add3A_870 = arith.constant 10 : i32
        %add3A_871 = arith.addi %mul3A_311, %add3A_870 : i32
        %slice3A_872 = vector.extract_strided_slice %get3A_316 {offsets = [10], sizes = [1], strides = [1]} : vector<16xf32> to vector<1xf32>
        %squeeze3A_873 = vector.extract %slice3A_872[0] : f32 from vector<1xf32>
        %get3A_874 = arith.index_cast %add3A_871 : i32 to index
        %get3A_875 = arith.constant 0 : index
        %get3A_876 = tpu.vector_load %arg12[%get3A_874, %get3A_875] {strides = array<i32>} : memref<2048x16xf32, #tpu.memory_space<vmem>>, vector<1x16xf32>,
        %get3A_877 = vector.shape_cast %get3A_876 : vector<1x16xf32> to vector<16xf32>
        %mul3A_878 = vector.broadcast %squeeze3A_873 : f32 to vector<16xf32>
        %mul3A_879 = arith.mulf %mul3A_878, %get3A_877 : vector<16xf32>
        %slice3A_880 = vector.extract_strided_slice %get3A_321 {offsets = [10], sizes = [1], strides = [1]} : vector<16xf32> to vector<1xf32>
        %squeeze3A_881 = vector.extract %slice3A_880[0] : f32 from vector<1xf32>
        %add3A_882 = arith.constant 512 : i32
        %add3A_883 = arith.addi %add3A_882, %add3A_871 : i32
        %get3A_884 = arith.index_cast %add3A_883 : i32 to index
        %get3A_885 = arith.constant 0 : index
        %get3A_886 = tpu.vector_load %arg12[%get3A_884, %get3A_885] {strides = array<i32>} : memref<2048x16xf32, #tpu.memory_space<vmem>>, vector<1x16xf32>,
        %get3A_887 = vector.shape_cast %get3A_886 : vector<1x16xf32> to vector<16xf32>
        %mul3A_888 = vector.broadcast %squeeze3A_881 : f32 to vector<16xf32>
        %mul3A_889 = arith.mulf %mul3A_888, %get3A_887 : vector<16xf32>
        %add3A_890 = arith.addf %mul3A_879, %mul3A_889 : vector<16xf32>
        %slice3A_891 = vector.extract_strided_slice %get3A_326 {offsets = [10], sizes = [1], strides = [1]} : vector<16xf32> to vector<1xf32>
        %squeeze3A_892 = vector.extract %slice3A_891[0] : f32 from vector<1xf32>
        %add3A_893 = arith.constant 1024 : i32
        %add3A_894 = arith.addi %add3A_893, %add3A_871 : i32
        %get3A_895 = arith.index_cast %add3A_894 : i32 to index
        %get3A_896 = arith.constant 0 : index
        %get3A_897 = tpu.vector_load %arg12[%get3A_895, %get3A_896] {strides = array<i32>} : memref<2048x16xf32, #tpu.memory_space<vmem>>, vector<1x16xf32>,
        %get3A_898 = vector.shape_cast %get3A_897 : vector<1x16xf32> to vector<16xf32>
        %mul3A_899 = vector.broadcast %squeeze3A_892 : f32 to vector<16xf32>
        %mul3A_900 = arith.mulf %mul3A_899, %get3A_898 : vector<16xf32>
        %add3A_901 = arith.addf %add3A_890, %mul3A_900 : vector<16xf32>
        %slice3A_902 = vector.extract_strided_slice %get3A_331 {offsets = [10], sizes = [1], strides = [1]} : vector<16xf32> to vector<1xf32>
        %squeeze3A_903 = vector.extract %slice3A_902[0] : f32 from vector<1xf32>
        %add3A_904 = arith.constant 1536 : i32
        %add3A_905 = arith.addi %add3A_904, %add3A_871 : i32
        %get3A_906 = arith.index_cast %add3A_905 : i32 to index
        %get3A_907 = arith.constant 0 : index
        %get3A_908 = tpu.vector_load %arg12[%get3A_906, %get3A_907] {strides = array<i32>} : memref<2048x16xf32, #tpu.memory_space<vmem>>, vector<1x16xf32>,
        %get3A_909 = vector.shape_cast %get3A_908 : vector<1x16xf32> to vector<16xf32>
        %mul3A_910 = vector.broadcast %squeeze3A_903 : f32 to vector<16xf32>
        %mul3A_911 = arith.mulf %mul3A_910, %get3A_909 : vector<16xf32>
        %add3A_912 = arith.addf %add3A_901, %mul3A_911 : vector<16xf32>
        %get3A_913 = arith.index_cast %add3A_871 : i32 to index
        %get3A_914 = arith.constant 0 : index
        %get3A_915 = tpu.vector_load %arg13[%get3A_913, %get3A_914] {strides = array<i32>} : memref<512x16xf32, #tpu.memory_space<vmem>>, vector<1x16xf32>,
        %get3A_916 = vector.shape_cast %get3A_915 : vector<1x16xf32> to vector<16xf32>
        %max3A_917 = arith.maximumf %get3A_916, %add3A_912 : vector<16xf32>
        %select_n3A_918 = arith.select %eq3A_299, %add3A_912, %max3A_917 : vector<16xf32>
        %swap3A_919 = arith.index_cast %add3A_871 : i32 to index
        %swap3A_920 = arith.constant 0 : index
        %swap3A_921 = tpu.vector_load %arg13[%swap3A_919, %swap3A_920] {strides = array<i32>} : memref<512x16xf32, #tpu.memory_space<vmem>>, vector<1x16xf32>,
        %swap3A_922 = vector.shape_cast %swap3A_921 : vector<1x16xf32> to vector<16xf32>
        %swap3A_923 = vector.shape_cast %select_n3A_918 : vector<16xf32> to vector<1x16xf32>
        tpu.vector_store %arg13[%swap3A_919, %swap3A_920], %swap3A_923 {strides = array<i32>} : memref<512x16xf32, #tpu.memory_space<vmem>>, vector<1x16xf32>,
        %add3A_924 = arith.constant 11 : i32
        %add3A_925 = arith.addi %mul3A_311, %add3A_924 : i32
        %slice3A_926 = vector.extract_strided_slice %get3A_316 {offsets = [11], sizes = [1], strides = [1]} : vector<16xf32> to vector<1xf32>
        %squeeze3A_927 = vector.extract %slice3A_926[0] : f32 from vector<1xf32>
        %get3A_928 = arith.index_cast %add3A_925 : i32 to index
        %get3A_929 = arith.constant 0 : index
        %get3A_930 = tpu.vector_load %arg12[%get3A_928, %get3A_929] {strides = array<i32>} : memref<2048x16xf32, #tpu.memory_space<vmem>>, vector<1x16xf32>,
        %get3A_931 = vector.shape_cast %get3A_930 : vector<1x16xf32> to vector<16xf32>
        %mul3A_932 = vector.broadcast %squeeze3A_927 : f32 to vector<16xf32>
        %mul3A_933 = arith.mulf %mul3A_932, %get3A_931 : vector<16xf32>
        %slice3A_934 = vector.extract_strided_slice %get3A_321 {offsets = [11], sizes = [1], strides = [1]} : vector<16xf32> to vector<1xf32>
        %squeeze3A_935 = vector.extract %slice3A_934[0] : f32 from vector<1xf32>
        %add3A_936 = arith.constant 512 : i32
        %add3A_937 = arith.addi %add3A_936, %add3A_925 : i32
        %get3A_938 = arith.index_cast %add3A_937 : i32 to index
        %get3A_939 = arith.constant 0 : index
        %get3A_940 = tpu.vector_load %arg12[%get3A_938, %get3A_939] {strides = array<i32>} : memref<2048x16xf32, #tpu.memory_space<vmem>>, vector<1x16xf32>,
        %get3A_941 = vector.shape_cast %get3A_940 : vector<1x16xf32> to vector<16xf32>
        %mul3A_942 = vector.broadcast %squeeze3A_935 : f32 to vector<16xf32>
        %mul3A_943 = arith.mulf %mul3A_942, %get3A_941 : vector<16xf32>
        %add3A_944 = arith.addf %mul3A_933, %mul3A_943 : vector<16xf32>
        %slice3A_945 = vector.extract_strided_slice %get3A_326 {offsets = [11], sizes = [1], strides = [1]} : vector<16xf32> to vector<1xf32>
        %squeeze3A_946 = vector.extract %slice3A_945[0] : f32 from vector<1xf32>
        %add3A_947 = arith.constant 1024 : i32
        %add3A_948 = arith.addi %add3A_947, %add3A_925 : i32
        %get3A_949 = arith.index_cast %add3A_948 : i32 to index
        %get3A_950 = arith.constant 0 : index
        %get3A_951 = tpu.vector_load %arg12[%get3A_949, %get3A_950] {strides = array<i32>} : memref<2048x16xf32, #tpu.memory_space<vmem>>, vector<1x16xf32>,
        %get3A_952 = vector.shape_cast %get3A_951 : vector<1x16xf32> to vector<16xf32>
        %mul3A_953 = vector.broadcast %squeeze3A_946 : f32 to vector<16xf32>
        %mul3A_954 = arith.mulf %mul3A_953, %get3A_952 : vector<16xf32>
        %add3A_955 = arith.addf %add3A_944, %mul3A_954 : vector<16xf32>
        %slice3A_956 = vector.extract_strided_slice %get3A_331 {offsets = [11], sizes = [1], strides = [1]} : vector<16xf32> to vector<1xf32>
        %squeeze3A_957 = vector.extract %slice3A_956[0] : f32 from vector<1xf32>
        %add3A_958 = arith.constant 1536 : i32
        %add3A_959 = arith.addi %add3A_958, %add3A_925 : i32
        %get3A_960 = arith.index_cast %add3A_959 : i32 to index
        %get3A_961 = arith.constant 0 : index
        %get3A_962 = tpu.vector_load %arg12[%get3A_960, %get3A_961] {strides = array<i32>} : memref<2048x16xf32, #tpu.memory_space<vmem>>, vector<1x16xf32>,
        %get3A_963 = vector.shape_cast %get3A_962 : vector<1x16xf32> to vector<16xf32>
        %mul3A_964 = vector.broadcast %squeeze3A_957 : f32 to vector<16xf32>
        %mul3A_965 = arith.mulf %mul3A_964, %get3A_963 : vector<16xf32>
        %add3A_966 = arith.addf %add3A_955, %mul3A_965 : vector<16xf32>
        %get3A_967 = arith.index_cast %add3A_925 : i32 to index
        %get3A_968 = arith.constant 0 : index
        %get3A_969 = tpu.vector_load %arg13[%get3A_967, %get3A_968] {strides = array<i32>} : memref<512x16xf32, #tpu.memory_space<vmem>>, vector<1x16xf32>,
        %get3A_970 = vector.shape_cast %get3A_969 : vector<1x16xf32> to vector<16xf32>
        %max3A_971 = arith.maximumf %get3A_970, %add3A_966 : vector<16xf32>
        %select_n3A_972 = arith.select %eq3A_299, %add3A_966, %max3A_971 : vector<16xf32>
        %swap3A_973 = arith.index_cast %add3A_925 : i32 to index
        %swap3A_974 = arith.constant 0 : index
        %swap3A_975 = tpu.vector_load %arg13[%swap3A_973, %swap3A_974] {strides = array<i32>} : memref<512x16xf32, #tpu.memory_space<vmem>>, vector<1x16xf32>,
        %swap3A_976 = vector.shape_cast %swap3A_975 : vector<1x16xf32> to vector<16xf32>
        %swap3A_977 = vector.shape_cast %select_n3A_972 : vector<16xf32> to vector<1x16xf32>
        tpu.vector_store %arg13[%swap3A_973, %swap3A_974], %swap3A_977 {strides = array<i32>} : memref<512x16xf32, #tpu.memory_space<vmem>>, vector<1x16xf32>,
        %add3A_978 = arith.constant 12 : i32
        %add3A_979 = arith.addi %mul3A_311, %add3A_978 : i32
        %slice3A_980 = vector.extract_strided_slice %get3A_316 {offsets = [12], sizes = [1], strides = [1]} : vector<16xf32> to vector<1xf32>
        %squeeze3A_981 = vector.extract %slice3A_980[0] : f32 from vector<1xf32>
        %get3A_982 = arith.index_cast %add3A_979 : i32 to index
        %get3A_983 = arith.constant 0 : index
        %get3A_984 = tpu.vector_load %arg12[%get3A_982, %get3A_983] {strides = array<i32>} : memref<2048x16xf32, #tpu.memory_space<vmem>>, vector<1x16xf32>,
        %get3A_985 = vector.shape_cast %get3A_984 : vector<1x16xf32> to vector<16xf32>
        %mul3A_986 = vector.broadcast %squeeze3A_981 : f32 to vector<16xf32>
        %mul3A_987 = arith.mulf %mul3A_986, %get3A_985 : vector<16xf32>
        %slice3A_988 = vector.extract_strided_slice %get3A_321 {offsets = [12], sizes = [1], strides = [1]} : vector<16xf32> to vector<1xf32>
        %squeeze3A_989 = vector.extract %slice3A_988[0] : f32 from vector<1xf32>
        %add3A_990 = arith.constant 512 : i32
        %add3A_991 = arith.addi %add3A_990, %add3A_979 : i32
        %get3A_992 = arith.index_cast %add3A_991 : i32 to index
        %get3A_993 = arith.constant 0 : index
        %get3A_994 = tpu.vector_load %arg12[%get3A_992, %get3A_993] {strides = array<i32>} : memref<2048x16xf32, #tpu.memory_space<vmem>>, vector<1x16xf32>,
        %get3A_995 = vector.shape_cast %get3A_994 : vector<1x16xf32> to vector<16xf32>
        %mul3A_996 = vector.broadcast %squeeze3A_989 : f32 to vector<16xf32>
        %mul3A_997 = arith.mulf %mul3A_996, %get3A_995 : vector<16xf32>
        %add3A_998 = arith.addf %mul3A_987, %mul3A_997 : vector<16xf32>
        %slice3A_999 = vector.extract_strided_slice %get3A_326 {offsets = [12], sizes = [1], strides = [1]} : vector<16xf32> to vector<1xf32>
        %squeeze3A_1000 = vector.extract %slice3A_999[0] : f32 from vector<1xf32>
        %add3A_1001 = arith.constant 1024 : i32
        %add3A_1002 = arith.addi %add3A_1001, %add3A_979 : i32
        %get3A_1003 = arith.index_cast %add3A_1002 : i32 to index
        %get3A_1004 = arith.constant 0 : index
        %get3A_1005 = tpu.vector_load %arg12[%get3A_1003, %get3A_1004] {strides = array<i32>} : memref<2048x16xf32, #tpu.memory_space<vmem>>, vector<1x16xf32>,
        %get3A_1006 = vector.shape_cast %get3A_1005 : vector<1x16xf32> to vector<16xf32>
        %mul3A_1007 = vector.broadcast %squeeze3A_1000 : f32 to vector<16xf32>
        %mul3A_1008 = arith.mulf %mul3A_1007, %get3A_1006 : vector<16xf32>
        %add3A_1009 = arith.addf %add3A_998, %mul3A_1008 : vector<16xf32>
        %slice3A_1010 = vector.extract_strided_slice %get3A_331 {offsets = [12], sizes = [1], strides = [1]} : vector<16xf32> to vector<1xf32>
        %squeeze3A_1011 = vector.extract %slice3A_1010[0] : f32 from vector<1xf32>
        %add3A_1012 = arith.constant 1536 : i32
        %add3A_1013 = arith.addi %add3A_1012, %add3A_979 : i32
        %get3A_1014 = arith.index_cast %add3A_1013 : i32 to index
        %get3A_1015 = arith.constant 0 : index
        %get3A_1016 = tpu.vector_load %arg12[%get3A_1014, %get3A_1015] {strides = array<i32>} : memref<2048x16xf32, #tpu.memory_space<vmem>>, vector<1x16xf32>,
        %get3A_1017 = vector.shape_cast %get3A_1016 : vector<1x16xf32> to vector<16xf32>
        %mul3A_1018 = vector.broadcast %squeeze3A_1011 : f32 to vector<16xf32>
        %mul3A_1019 = arith.mulf %mul3A_1018, %get3A_1017 : vector<16xf32>
        %add3A_1020 = arith.addf %add3A_1009, %mul3A_1019 : vector<16xf32>
        %get3A_1021 = arith.index_cast %add3A_979 : i32 to index
        %get3A_1022 = arith.constant 0 : index
        %get3A_1023 = tpu.vector_load %arg13[%get3A_1021, %get3A_1022] {strides = array<i32>} : memref<512x16xf32, #tpu.memory_space<vmem>>, vector<1x16xf32>,
        %get3A_1024 = vector.shape_cast %get3A_1023 : vector<1x16xf32> to vector<16xf32>
        %max3A_1025 = arith.maximumf %get3A_1024, %add3A_1020 : vector<16xf32>
        %select_n3A_1026 = arith.select %eq3A_299, %add3A_1020, %max3A_1025 : vector<16xf32>
        %swap3A_1027 = arith.index_cast %add3A_979 : i32 to index
        %swap3A_1028 = arith.constant 0 : index
        %swap3A_1029 = tpu.vector_load %arg13[%swap3A_1027, %swap3A_1028] {strides = array<i32>} : memref<512x16xf32, #tpu.memory_space<vmem>>, vector<1x16xf32>,
        %swap3A_1030 = vector.shape_cast %swap3A_1029 : vector<1x16xf32> to vector<16xf32>
        %swap3A_1031 = vector.shape_cast %select_n3A_1026 : vector<16xf32> to vector<1x16xf32>
        tpu.vector_store %arg13[%swap3A_1027, %swap3A_1028], %swap3A_1031 {strides = array<i32>} : memref<512x16xf32, #tpu.memory_space<vmem>>, vector<1x16xf32>,
        %add3A_1032 = arith.constant 13 : i32
        %add3A_1033 = arith.addi %mul3A_311, %add3A_1032 : i32
        %slice3A_1034 = vector.extract_strided_slice %get3A_316 {offsets = [13], sizes = [1], strides = [1]} : vector<16xf32> to vector<1xf32>
        %squeeze3A_1035 = vector.extract %slice3A_1034[0] : f32 from vector<1xf32>
        %get3A_1036 = arith.index_cast %add3A_1033 : i32 to index
        %get3A_1037 = arith.constant 0 : index
        %get3A_1038 = tpu.vector_load %arg12[%get3A_1036, %get3A_1037] {strides = array<i32>} : memref<2048x16xf32, #tpu.memory_space<vmem>>, vector<1x16xf32>,
        %get3A_1039 = vector.shape_cast %get3A_1038 : vector<1x16xf32> to vector<16xf32>
        %mul3A_1040 = vector.broadcast %squeeze3A_1035 : f32 to vector<16xf32>
        %mul3A_1041 = arith.mulf %mul3A_1040, %get3A_1039 : vector<16xf32>
        %slice3A_1042 = vector.extract_strided_slice %get3A_321 {offsets = [13], sizes = [1], strides = [1]} : vector<16xf32> to vector<1xf32>
        %squeeze3A_1043 = vector.extract %slice3A_1042[0] : f32 from vector<1xf32>
        %add3A_1044 = arith.constant 512 : i32
        %add3A_1045 = arith.addi %add3A_1044, %add3A_1033 : i32
        %get3A_1046 = arith.index_cast %add3A_1045 : i32 to index
        %get3A_1047 = arith.constant 0 : index
        %get3A_1048 = tpu.vector_load %arg12[%get3A_1046, %get3A_1047] {strides = array<i32>} : memref<2048x16xf32, #tpu.memory_space<vmem>>, vector<1x16xf32>,
        %get3A_1049 = vector.shape_cast %get3A_1048 : vector<1x16xf32> to vector<16xf32>
        %mul3A_1050 = vector.broadcast %squeeze3A_1043 : f32 to vector<16xf32>
        %mul3A_1051 = arith.mulf %mul3A_1050, %get3A_1049 : vector<16xf32>
        %add3A_1052 = arith.addf %mul3A_1041, %mul3A_1051 : vector<16xf32>
        %slice3A_1053 = vector.extract_strided_slice %get3A_326 {offsets = [13], sizes = [1], strides = [1]} : vector<16xf32> to vector<1xf32>
        %squeeze3A_1054 = vector.extract %slice3A_1053[0] : f32 from vector<1xf32>
        %add3A_1055 = arith.constant 1024 : i32
        %add3A_1056 = arith.addi %add3A_1055, %add3A_1033 : i32
        %get3A_1057 = arith.index_cast %add3A_1056 : i32 to index
        %get3A_1058 = arith.constant 0 : index
        %get3A_1059 = tpu.vector_load %arg12[%get3A_1057, %get3A_1058] {strides = array<i32>} : memref<2048x16xf32, #tpu.memory_space<vmem>>, vector<1x16xf32>,
        %get3A_1060 = vector.shape_cast %get3A_1059 : vector<1x16xf32> to vector<16xf32>
        %mul3A_1061 = vector.broadcast %squeeze3A_1054 : f32 to vector<16xf32>
        %mul3A_1062 = arith.mulf %mul3A_1061, %get3A_1060 : vector<16xf32>
        %add3A_1063 = arith.addf %add3A_1052, %mul3A_1062 : vector<16xf32>
        %slice3A_1064 = vector.extract_strided_slice %get3A_331 {offsets = [13], sizes = [1], strides = [1]} : vector<16xf32> to vector<1xf32>
        %squeeze3A_1065 = vector.extract %slice3A_1064[0] : f32 from vector<1xf32>
        %add3A_1066 = arith.constant 1536 : i32
        %add3A_1067 = arith.addi %add3A_1066, %add3A_1033 : i32
        %get3A_1068 = arith.index_cast %add3A_1067 : i32 to index
        %get3A_1069 = arith.constant 0 : index
        %get3A_1070 = tpu.vector_load %arg12[%get3A_1068, %get3A_1069] {strides = array<i32>} : memref<2048x16xf32, #tpu.memory_space<vmem>>, vector<1x16xf32>,
        %get3A_1071 = vector.shape_cast %get3A_1070 : vector<1x16xf32> to vector<16xf32>
        %mul3A_1072 = vector.broadcast %squeeze3A_1065 : f32 to vector<16xf32>
        %mul3A_1073 = arith.mulf %mul3A_1072, %get3A_1071 : vector<16xf32>
        %add3A_1074 = arith.addf %add3A_1063, %mul3A_1073 : vector<16xf32>
        %get3A_1075 = arith.index_cast %add3A_1033 : i32 to index
        %get3A_1076 = arith.constant 0 : index
        %get3A_1077 = tpu.vector_load %arg13[%get3A_1075, %get3A_1076] {strides = array<i32>} : memref<512x16xf32, #tpu.memory_space<vmem>>, vector<1x16xf32>,
        %get3A_1078 = vector.shape_cast %get3A_1077 : vector<1x16xf32> to vector<16xf32>
        %max3A_1079 = arith.maximumf %get3A_1078, %add3A_1074 : vector<16xf32>
        %select_n3A_1080 = arith.select %eq3A_299, %add3A_1074, %max3A_1079 : vector<16xf32>
        %swap3A_1081 = arith.index_cast %add3A_1033 : i32 to index
        %swap3A_1082 = arith.constant 0 : index
        %swap3A_1083 = tpu.vector_load %arg13[%swap3A_1081, %swap3A_1082] {strides = array<i32>} : memref<512x16xf32, #tpu.memory_space<vmem>>, vector<1x16xf32>,
        %swap3A_1084 = vector.shape_cast %swap3A_1083 : vector<1x16xf32> to vector<16xf32>
        %swap3A_1085 = vector.shape_cast %select_n3A_1080 : vector<16xf32> to vector<1x16xf32>
        tpu.vector_store %arg13[%swap3A_1081, %swap3A_1082], %swap3A_1085 {strides = array<i32>} : memref<512x16xf32, #tpu.memory_space<vmem>>, vector<1x16xf32>,
        %add3A_1086 = arith.constant 14 : i32
        %add3A_1087 = arith.addi %mul3A_311, %add3A_1086 : i32
        %slice3A_1088 = vector.extract_strided_slice %get3A_316 {offsets = [14], sizes = [1], strides = [1]} : vector<16xf32> to vector<1xf32>
        %squeeze3A_1089 = vector.extract %slice3A_1088[0] : f32 from vector<1xf32>
        %get3A_1090 = arith.index_cast %add3A_1087 : i32 to index
        %get3A_1091 = arith.constant 0 : index
        %get3A_1092 = tpu.vector_load %arg12[%get3A_1090, %get3A_1091] {strides = array<i32>} : memref<2048x16xf32, #tpu.memory_space<vmem>>, vector<1x16xf32>,
        %get3A_1093 = vector.shape_cast %get3A_1092 : vector<1x16xf32> to vector<16xf32>
        %mul3A_1094 = vector.broadcast %squeeze3A_1089 : f32 to vector<16xf32>
        %mul3A_1095 = arith.mulf %mul3A_1094, %get3A_1093 : vector<16xf32>
        %slice3A_1096 = vector.extract_strided_slice %get3A_321 {offsets = [14], sizes = [1], strides = [1]} : vector<16xf32> to vector<1xf32>
        %squeeze3A_1097 = vector.extract %slice3A_1096[0] : f32 from vector<1xf32>
        %add3A_1098 = arith.constant 512 : i32
        %add3A_1099 = arith.addi %add3A_1098, %add3A_1087 : i32
        %get3A_1100 = arith.index_cast %add3A_1099 : i32 to index
        %get3A_1101 = arith.constant 0 : index
        %get3A_1102 = tpu.vector_load %arg12[%get3A_1100, %get3A_1101] {strides = array<i32>} : memref<2048x16xf32, #tpu.memory_space<vmem>>, vector<1x16xf32>,
        %get3A_1103 = vector.shape_cast %get3A_1102 : vector<1x16xf32> to vector<16xf32>
        %mul3A_1104 = vector.broadcast %squeeze3A_1097 : f32 to vector<16xf32>
        %mul3A_1105 = arith.mulf %mul3A_1104, %get3A_1103 : vector<16xf32>
        %add3A_1106 = arith.addf %mul3A_1095, %mul3A_1105 : vector<16xf32>
        %slice3A_1107 = vector.extract_strided_slice %get3A_326 {offsets = [14], sizes = [1], strides = [1]} : vector<16xf32> to vector<1xf32>
        %squeeze3A_1108 = vector.extract %slice3A_1107[0] : f32 from vector<1xf32>
        %add3A_1109 = arith.constant 1024 : i32
        %add3A_1110 = arith.addi %add3A_1109, %add3A_1087 : i32
        %get3A_1111 = arith.index_cast %add3A_1110 : i32 to index
        %get3A_1112 = arith.constant 0 : index
        %get3A_1113 = tpu.vector_load %arg12[%get3A_1111, %get3A_1112] {strides = array<i32>} : memref<2048x16xf32, #tpu.memory_space<vmem>>, vector<1x16xf32>,
        %get3A_1114 = vector.shape_cast %get3A_1113 : vector<1x16xf32> to vector<16xf32>
        %mul3A_1115 = vector.broadcast %squeeze3A_1108 : f32 to vector<16xf32>
        %mul3A_1116 = arith.mulf %mul3A_1115, %get3A_1114 : vector<16xf32>
        %add3A_1117 = arith.addf %add3A_1106, %mul3A_1116 : vector<16xf32>
        %slice3A_1118 = vector.extract_strided_slice %get3A_331 {offsets = [14], sizes = [1], strides = [1]} : vector<16xf32> to vector<1xf32>
        %squeeze3A_1119 = vector.extract %slice3A_1118[0] : f32 from vector<1xf32>
        %add3A_1120 = arith.constant 1536 : i32
        %add3A_1121 = arith.addi %add3A_1120, %add3A_1087 : i32
        %get3A_1122 = arith.index_cast %add3A_1121 : i32 to index
        %get3A_1123 = arith.constant 0 : index
        %get3A_1124 = tpu.vector_load %arg12[%get3A_1122, %get3A_1123] {strides = array<i32>} : memref<2048x16xf32, #tpu.memory_space<vmem>>, vector<1x16xf32>,
        %get3A_1125 = vector.shape_cast %get3A_1124 : vector<1x16xf32> to vector<16xf32>
        %mul3A_1126 = vector.broadcast %squeeze3A_1119 : f32 to vector<16xf32>
        %mul3A_1127 = arith.mulf %mul3A_1126, %get3A_1125 : vector<16xf32>
        %add3A_1128 = arith.addf %add3A_1117, %mul3A_1127 : vector<16xf32>
        %get3A_1129 = arith.index_cast %add3A_1087 : i32 to index
        %get3A_1130 = arith.constant 0 : index
        %get3A_1131 = tpu.vector_load %arg13[%get3A_1129, %get3A_1130] {strides = array<i32>} : memref<512x16xf32, #tpu.memory_space<vmem>>, vector<1x16xf32>,
        %get3A_1132 = vector.shape_cast %get3A_1131 : vector<1x16xf32> to vector<16xf32>
        %max3A_1133 = arith.maximumf %get3A_1132, %add3A_1128 : vector<16xf32>
        %select_n3A_1134 = arith.select %eq3A_299, %add3A_1128, %max3A_1133 : vector<16xf32>
        %swap3A_1135 = arith.index_cast %add3A_1087 : i32 to index
        %swap3A_1136 = arith.constant 0 : index
        %swap3A_1137 = tpu.vector_load %arg13[%swap3A_1135, %swap3A_1136] {strides = array<i32>} : memref<512x16xf32, #tpu.memory_space<vmem>>, vector<1x16xf32>,
        %swap3A_1138 = vector.shape_cast %swap3A_1137 : vector<1x16xf32> to vector<16xf32>
        %swap3A_1139 = vector.shape_cast %select_n3A_1134 : vector<16xf32> to vector<1x16xf32>
        tpu.vector_store %arg13[%swap3A_1135, %swap3A_1136], %swap3A_1139 {strides = array<i32>} : memref<512x16xf32, #tpu.memory_space<vmem>>, vector<1x16xf32>,
        %add3A_1140 = arith.constant 15 : i32
        %add3A_1141 = arith.addi %mul3A_311, %add3A_1140 : i32
        %slice3A_1142 = vector.extract_strided_slice %get3A_316 {offsets = [15], sizes = [1], strides = [1]} : vector<16xf32> to vector<1xf32>
        %squeeze3A_1143 = vector.extract %slice3A_1142[0] : f32 from vector<1xf32>
        %get3A_1144 = arith.index_cast %add3A_1141 : i32 to index
        %get3A_1145 = arith.constant 0 : index
        %get3A_1146 = tpu.vector_load %arg12[%get3A_1144, %get3A_1145] {strides = array<i32>} : memref<2048x16xf32, #tpu.memory_space<vmem>>, vector<1x16xf32>,
        %get3A_1147 = vector.shape_cast %get3A_1146 : vector<1x16xf32> to vector<16xf32>
        %mul3A_1148 = vector.broadcast %squeeze3A_1143 : f32 to vector<16xf32>
        %mul3A_1149 = arith.mulf %mul3A_1148, %get3A_1147 : vector<16xf32>
        %slice3A_1150 = vector.extract_strided_slice %get3A_321 {offsets = [15], sizes = [1], strides = [1]} : vector<16xf32> to vector<1xf32>
        %squeeze3A_1151 = vector.extract %slice3A_1150[0] : f32 from vector<1xf32>
        %add3A_1152 = arith.constant 512 : i32
        %add3A_1153 = arith.addi %add3A_1152, %add3A_1141 : i32
        %get3A_1154 = arith.index_cast %add3A_1153 : i32 to index
        %get3A_1155 = arith.constant 0 : index
        %get3A_1156 = tpu.vector_load %arg12[%get3A_1154, %get3A_1155] {strides = array<i32>} : memref<2048x16xf32, #tpu.memory_space<vmem>>, vector<1x16xf32>,
        %get3A_1157 = vector.shape_cast %get3A_1156 : vector<1x16xf32> to vector<16xf32>
        %mul3A_1158 = vector.broadcast %squeeze3A_1151 : f32 to vector<16xf32>
        %mul3A_1159 = arith.mulf %mul3A_1158, %get3A_1157 : vector<16xf32>
        %add3A_1160 = arith.addf %mul3A_1149, %mul3A_1159 : vector<16xf32>
        %slice3A_1161 = vector.extract_strided_slice %get3A_326 {offsets = [15], sizes = [1], strides = [1]} : vector<16xf32> to vector<1xf32>
        %squeeze3A_1162 = vector.extract %slice3A_1161[0] : f32 from vector<1xf32>
        %add3A_1163 = arith.constant 1024 : i32
        %add3A_1164 = arith.addi %add3A_1163, %add3A_1141 : i32
        %get3A_1165 = arith.index_cast %add3A_1164 : i32 to index
        %get3A_1166 = arith.constant 0 : index
        %get3A_1167 = tpu.vector_load %arg12[%get3A_1165, %get3A_1166] {strides = array<i32>} : memref<2048x16xf32, #tpu.memory_space<vmem>>, vector<1x16xf32>,
        %get3A_1168 = vector.shape_cast %get3A_1167 : vector<1x16xf32> to vector<16xf32>
        %mul3A_1169 = vector.broadcast %squeeze3A_1162 : f32 to vector<16xf32>
        %mul3A_1170 = arith.mulf %mul3A_1169, %get3A_1168 : vector<16xf32>
        %add3A_1171 = arith.addf %add3A_1160, %mul3A_1170 : vector<16xf32>
        %slice3A_1172 = vector.extract_strided_slice %get3A_331 {offsets = [15], sizes = [1], strides = [1]} : vector<16xf32> to vector<1xf32>
        %squeeze3A_1173 = vector.extract %slice3A_1172[0] : f32 from vector<1xf32>
        %add3A_1174 = arith.constant 1536 : i32
        %add3A_1175 = arith.addi %add3A_1174, %add3A_1141 : i32
        %get3A_1176 = arith.index_cast %add3A_1175 : i32 to index
        %get3A_1177 = arith.constant 0 : index
        %get3A_1178 = tpu.vector_load %arg12[%get3A_1176, %get3A_1177] {strides = array<i32>} : memref<2048x16xf32, #tpu.memory_space<vmem>>, vector<1x16xf32>,
        %get3A_1179 = vector.shape_cast %get3A_1178 : vector<1x16xf32> to vector<16xf32>
        %mul3A_1180 = vector.broadcast %squeeze3A_1173 : f32 to vector<16xf32>
        %mul3A_1181 = arith.mulf %mul3A_1180, %get3A_1179 : vector<16xf32>
        %add3A_1182 = arith.addf %add3A_1171, %mul3A_1181 : vector<16xf32>
        %get3A_1183 = arith.index_cast %add3A_1141 : i32 to index
        %get3A_1184 = arith.constant 0 : index
        %get3A_1185 = tpu.vector_load %arg13[%get3A_1183, %get3A_1184] {strides = array<i32>} : memref<512x16xf32, #tpu.memory_space<vmem>>, vector<1x16xf32>,
        %get3A_1186 = vector.shape_cast %get3A_1185 : vector<1x16xf32> to vector<16xf32>
        %max3A_1187 = arith.maximumf %get3A_1186, %add3A_1182 : vector<16xf32>
        %select_n3A_1188 = arith.select %eq3A_299, %add3A_1182, %max3A_1187 : vector<16xf32>
        %swap3A_1189 = arith.index_cast %add3A_1141 : i32 to index
        %swap3A_1190 = arith.constant 0 : index
        %swap3A_1191 = tpu.vector_load %arg13[%swap3A_1189, %swap3A_1190] {strides = array<i32>} : memref<512x16xf32, #tpu.memory_space<vmem>>, vector<1x16xf32>,
        %swap3A_1192 = vector.shape_cast %swap3A_1191 : vector<1x16xf32> to vector<16xf32>
        %swap3A_1193 = vector.shape_cast %select_n3A_1188 : vector<16xf32> to vector<1x16xf32>
        tpu.vector_store %arg13[%swap3A_1189, %swap3A_1190], %swap3A_1193 {strides = array<i32>} : memref<512x16xf32, #tpu.memory_space<vmem>>, vector<1x16xf32>,
      }
      %scan3A_305 = arith.constant 32 : i32
      %eq3A_306 = arith.constant 5 : i32
      %eq3A_307 = arith.cmpi eq, %select_n3A_78, %eq3A_306 : i32
      %convert_element_type3A = arith.extui %eq3A_307 : i1 to i32
      %cond3A = arith.constant 0 : i32
      %cond3A_308 = arith.cmpi ne, %convert_element_type3A, %cond3A : i32
      scf.if %cond3A_308 {
        "tpu.region"() ({
          %run_scoped3A = tpu.sem_alloc : memref<!tpu.dma_semaphore, #tpu.memory_space<semaphore_mem>>
          %dma_start3A_309 = arith.constant 0 : i32
          %dma_start3A_310 = tpu.memref_slice %arg6[%select_n3A, %add3A_91, %dma_start3A_309] : memref<2x65536x16xf32, #tpu.memory_space<hbm>> -> memref<1x512x16xf32, #tpu.memory_space<hbm>>
          %dma_start3A_311 = tpu.memref_squeeze %dma_start3A_310 : memref<1x512x16xf32, #tpu.memory_space<hbm>> -> memref<512x16xf32, #tpu.memory_space<hbm>>
          %dma_start3A_312 = arith.constant 0 : i32
          %dma_start3A_313 = tpu.memref_slice %arg6[%select_n3A, %add3A_91, %dma_start3A_312] : memref<2x65536x16xf32, #tpu.memory_space<hbm>> -> memref<1x512x16xf32, #tpu.memory_space<hbm>>
          %dma_start3A_314 = tpu.memref_squeeze %dma_start3A_313 : memref<1x512x16xf32, #tpu.memory_space<hbm>> -> memref<512x16xf32, #tpu.memory_space<hbm>>
          tpu.enqueue_dma source(%arg13 : memref<512x16xf32, #tpu.memory_space<vmem>>) target(%dma_start3A_314 : memref<512x16xf32, #tpu.memory_space<hbm>>) target_semaphore(%run_scoped3A : memref<!tpu.dma_semaphore, #tpu.memory_space<semaphore_mem>>)
          %dma_wait3A_315 = arith.constant 0 : i32
          %dma_wait3A_316 = tpu.memref_slice %arg6[%select_n3A, %add3A_91, %dma_wait3A_315] : memref<2x65536x16xf32, #tpu.memory_space<hbm>> -> memref<1x512x16xf32, #tpu.memory_space<hbm>>
          %dma_wait3A_317 = tpu.memref_squeeze %dma_wait3A_316 : memref<1x512x16xf32, #tpu.memory_space<hbm>> -> memref<512x16xf32, #tpu.memory_space<hbm>>
          %dma_wait3A_318 = arith.constant 0 : i32
          %dma_wait3A_319 = tpu.memref_slice %arg6[%select_n3A, %add3A_91, %dma_wait3A_318] : memref<2x65536x16xf32, #tpu.memory_space<hbm>> -> memref<1x512x16xf32, #tpu.memory_space<hbm>>
          %dma_wait3A_320 = tpu.memref_squeeze %dma_wait3A_319 : memref<1x512x16xf32, #tpu.memory_space<hbm>> -> memref<512x16xf32, #tpu.memory_space<hbm>>
          tpu.wait_dma2 semaphore(%run_scoped3A : memref<!tpu.dma_semaphore, #tpu.memory_space<semaphore_mem>>) src(%arg13 : memref<512x16xf32, #tpu.memory_space<vmem>>) dst(%dma_wait3A_320 : memref<512x16xf32, #tpu.memory_space<hbm>>)
          tpu.yield
        }) : () -> ()
      } else {
      }
    }
    %scan3A_7 = arith.constant 48 : i32
    return
  }
}

</mosaic_0001>

<sc_bundles>
// kernel: kernel.3.cloned.1.call-start
scs
__scs_entry_jumppad:
0x0: {  	(pc) =	sbr.rel $0x88, $3  }
0x1: {  	(tag) =	ssettag $0x0;
	lr =	simm.s32 $0x1  }
0x2: {  	[smem:$0x3F99] =	sst lr;
	_ =	strace $0xD0000000  }
0x3: {  	_ = 	snop  }
0x4: {  	_ = 	snop  }
0x5: {  	_ = 	snop  }
0x6: {  	_ = 	snop  }
0x7: {  	_ = 	snop  }
__scs_overlays_trampoline_lowered:
0x8: {  	[smem:$0x3FA8] =	sst s0  }
0x9: {  	[smem:$0x3FA9] =	sst s1  }
0xa: {  	[smem:$0x3FAA] =	sst s2  }
0xb: {  	[smem:$0x3FAB] =	sst s3  }
0xc: {  	[smem:$0x3FAC] =	sst s4  }
0xd: {  	[smem:$0x3FAD] =	sst s5  }
0xe: {  	[smem:$0x3FAE] =	sst s6  }
0xf: {  	[smem:$0x3FAF] =	sst s7  }
0x10: {  	[smem:$0x3FB0] =	sst s8  }
0x11: {  	[smem:$0x3FB1] =	sst s9;
	s0 =	simm.s32 @!p0 $0x0  }
0x12: {  	s1 =	sld [smem:$0x3F97];
	s0 =	simm.s32 @p0 $0x1  }
0x13: {  	[smem:$0x3FB2] =	sst s0;
	s0 =	simm.s32 @!p1 $0x0  }
0x14: {  	s2 =	sld [smem:$0x3F96];
	s0 =	simm.s32 @p1 $0x1  }
0x15: {  	[smem:$0x3FB3] =	sst s0;
	s0 =	simm.s32 @!p2 $0x0  }
0x16: {  	s3 =	sld [smem:$0x3FDB];
	s0 =	simm.s32 @p2 $0x1  }
0x17: {  	s4 =	simm.s32 $0x1BF5;
	[smem:$0x3FB5] =	sst s0  }
0x18: {  	s0 =	sld [smem:$0x3F98];
	_ =	swait.ge [sflag:s4], $0x0  }
0x19: {  	s7 =	sld [smem:$0x3F99]  }
0x1a: {  	s8 =	sadd.s32 $0xFFFFE003, lr  }
0x1b: {  	s9 =	sadd.s32 $0xFFFFFEF7, lr;
	s5 =	simm.s32 $0xFFFFFFFF;
	p2 =	slt.u32 s8, $0xFFFFF086  }
0x1c: {  	p1 =	slt.u32 s9, $0xF7A;
	s5 =	simm.s32 @!p2 $0x0  }
0x1d: {  	s5 =	simm.s32 @p1 $0x1;
	p0 =	seq.s32 s7, s2  }
0x1e: {  	s7 =	smul.u32 @!p0 $0xF7A, s2;
	p2 =	seq.s32 @!p0 s5, $0x0  }
0x1f: {  	s9 =	smul.u32 $0xF7A, s1;
	s8 =	simm.s32 @!p0 $0x1BF5;
	p2 =	por !p2, p0  }
0x20: {  	[sflag:s8] =	ssyncset.s32 @!p0 $0xFFFFF086;
	s6 =	sadd.s32 @!p0 s3, s7;
	s7 =	simm.s32 @!p0 $0x108  }
0x21: {  	s3 =	sadd.s32 s3, s9;
	s6 =	sadd.s32 @!p0 $0x88, s6;
	s7 =	simm.s32 @p2 $0x1082  }
0x22: {  	[simem:s7], [sflag:s8] =	dma.local @!p0 [hbm:s6], $0xF7A  }
0x23: {  	s9 =	sor.u32 $0xD0000000, s2;
	s6 =	simm.s32 $0x108;
	_ =	swait.ge @!p0 [sflag:s8], $0x0  }
0x24: {  	s3 =	sadd.s32 $0x88, s3;
	s6 =	simm.s32 @!p1 $0x1082;
	[sflag:s4] =	ssyncset.s32 $0xFFFFF086  }
0x25: {  	[simem:s6], [sflag:s4] =	dma.local [hbm:s3], $0xF7A  }
0x26: {  	[smem:$0x3F99] =	sst s1;
	(tag) =	ssettag s2;
	_ =	strace s9  }
0x27: {  	s1 =	sld [smem:$0x3FA9]  }
0x28: {  	s2 =	sld [smem:$0x3FAA]  }
0x29: {  	s4 =	sld [smem:$0x3FAC]  }
0x2a: {  	p0 =	seq.s32 s5, $0x0;
	s5 =	sld [smem:$0x3FAD]  }
0x2b: {  	s6 =	sld [smem:$0x3FAE]  }
0x2c: {  	s7 =	sld [smem:$0x3FAF]  }
0x2d: {  	s3 =	simm.s32 $0x108;
	s8 =	sld [smem:$0x3FB0]  }
0x2e: {  	s3 =	simm.s32 @!p0 $0x1082;
	s9 =	sld [smem:$0x3FB1]  }
0x2f: {  	lr =	sadd.s32 s0, s3;
	s0 =	sld [smem:$0x3FA8]  }
0x30: {  	s3 =	sld [smem:$0x3FAB]  }
0x31: {  	[smem:$0x3FB4] =	sst s10  }
0x32: {  	s10 =	sld [smem:$0x3FB2];
	_ =	sdelay $0x3  }
0x33: {  	p0 =	seq.s32 s10, $0x1;
	s10 =	sld [smem:$0x3FB4];
	_ =	sdelay $0x3  }
0x34: {  	[smem:$0x3FB4] =	sst s10  }
0x35: {  	s10 =	sld [smem:$0x3FB3];
	_ =	sdelay $0x3  }
0x36: {  	p1 =	seq.s32 s10, $0x1;
	s10 =	sld [smem:$0x3FB4];
	_ =	sdelay $0x3  }
0x37: {  	[smem:$0x3FB4] =	sst s10  }
0x38: {  	s10 =	sld [smem:$0x3FB5]  }
0x39: {  	_ = 	snop;
	(pc) =	sbr.ind lr, $3  }
0x3a: {  	_ = 	snop  }
0x3b: {  	_ = 	snop  }
0x3c: {  	p2 =	seq.s32 s10, $0x1;
	s10 =	sld [smem:$0x3FB4]  }
0x3d: {  	_ =	shalt  }
0x3e: {  	_ =	shalt  }
0x3f: {  	_ =	shalt  }
0x40: {  	_ =	shalt  }
0x41: {  	_ =	shalt  }
0x42: {  	_ =	shalt  }
0x43: {  	_ =	shalt  }
0x44: {  	_ =	shalt  }
0x45: {  	_ =	shalt  }
0x46: {  	_ =	shalt  }
0x47: {  	_ =	shalt  }
0x48: {  	_ =	shalt  }
0x49: {  	_ =	shalt  }
0x4a: {  	_ =	shalt  }
0x4b: {  	_ =	shalt  }
0x4c: {  	_ =	shalt  }
0x4d: {  	_ =	shalt  }
0x4e: {  	_ =	shalt  }
0x4f: {  	_ =	shalt  }
0x50: {  	_ =	shalt  }
0x51: {  	_ =	shalt  }
0x52: {  	_ =	shalt  }
0x53: {  	_ =	shalt  }
0x54: {  	_ =	shalt  }
0x55: {  	_ =	shalt  }
0x56: {  	_ =	shalt  }
0x57: {  	_ =	shalt  }
0x58: {  	_ =	shalt  }
0x59: {  	_ =	shalt  }
0x5a: {  	_ =	shalt  }
0x5b: {  	_ =	shalt  }
0x5c: {  	_ =	shalt  }
0x5d: {  	_ =	shalt  }
0x5e: {  	_ =	shalt  }
0x5f: {  	_ =	shalt  }
0x60: {  	_ =	shalt  }
0x61: {  	_ =	shalt  }
0x62: {  	_ =	shalt  }
0x63: {  	_ =	shalt  }
0x64: {  	_ =	shalt  }
0x65: {  	_ =	shalt  }
0x66: {  	_ =	shalt  }
0x67: {  	_ =	shalt  }
0x68: {  	_ =	shalt  }
0x69: {  	_ =	shalt  }
0x6a: {  	_ =	shalt  }
0x6b: {  	_ =	shalt  }
0x6c: {  	_ =	shalt  }
0x6d: {  	_ =	shalt  }
0x6e: {  	_ =	shalt  }
0x6f: {  	_ =	shalt  }
0x70: {  	_ =	shalt  }
0x71: {  	_ =	shalt  }
0x72: {  	_ =	shalt  }
0x73: {  	_ =	shalt  }
0x74: {  	_ =	shalt  }
0x75: {  	_ =	shalt  }
0x76: {  	_ =	shalt  }
0x77: {  	_ =	shalt  }
0x78: {  	_ =	shalt  }
0x79: {  	_ =	shalt  }
0x7a: {  	_ =	shalt  }
0x7b: {  	_ =	shalt  }
0x7c: {  	_ =	shalt  }
0x7d: {  	_ =	shalt  }
0x7e: {  	_ =	shalt  }
0x7f: {  	_ =	shalt  }
0x80: {  	_ =	shalt  }
0x81: {  	_ =	shalt  }
0x82: {  	_ =	shalt  }
0x83: {  	_ =	shalt  }
0x84: {  	_ =	shalt  }
0x85: {  	_ =	shalt  }
0x86: {  	_ =	shalt  }
0x87: {  	_ =	shalt  }
.Lfunc_end0:
.L_simem_size_0:
called_computation.1_lowered:
.L_overlay_start_0:
0x88: {  	s2 =	sld [smem:$0x3FD9]  }
0x89: {  	s3 =	sld [smem:$0x3FFE];
	_ =	sdelay $0x1  }
0x8a: {  	s1 =	srdreg.scid  }
0x8b: {  	s0 =	sand.u32 $0x1, s1  }
0x8c: {  	s17 =	sshll.u32 s0, $0xA;
	s2 =	sadd.s32 s3, s2  }
0x8d: {  	s2 =	sadd.s32 s2, s17  }
0x8e: {  	[smem:$0x3FC0] =	sst s2  }
0x8f: {  	_ = 	snop  }
0x90: {  	s2 =	sld [smem:$0x3FD0];
	(tm) =	ssettm $0x1  }
0x91: {  	s18 =	sld [smem:$0x3FFB];
	_ =	sdelay $0x3  }
0x92: {  	_ =	strace s18  }
0x93: {  	s3 =	sld [smem:$0x3FFC];
	_ =	sdelay $0x3  }
0x94: {  	_ =	strace s3  }
0x95: {  	s3 =	sld [smem:$0x3FFD];
	_ =	sdelay $0x3  }
0x96: {  	_ =	strace s3  }
0x97: {  	_ =	strace $0x8FFFFFFF  }
0x98: {  	s19 =	sld [smem:$0x3FDB];
	_ =	sdelay $0x1  }
0x99: {  	s4 =	simm.s32 $_scs_section_size  }
0x9a: {  	s5 =	simm.s32 $_size__tile_overlayer_lowered;
	s6 =	simm.s32 $_tile_overlayer_lowered  }
0x9b: {  	s22 =	simm.s32 $0x1BFF;
	s21 =	sshll.u32 s6, $0x1;
	s3 =	sadd.s32 s4, s19  }
0x9c: {  	s7 =	simm.s32 $0x0;
	s20 =	sshll.u32 s5, $0x1;
	s5 =	sadd.s32 s21, s3  }
0x9d: {  	[timem:s7], [sflag:s22] =	dma.local [hbm:s5], s20  }
0x9e: {  	_ =	swait.ge [sflag:s22], s20  }
0x9f: {  	s4 =	ssub.s32 $0x0, s20;
	[sflag:s22] =	ssyncset.done $0x0  }
0xa0: {  	[sflag:s22] =	ssyncadd.s32 s4;
	_ =	sdelay $0x1  }
0xa1: {  	s23 =	simm.s32 $0x1B8B  }
0xa2: {  	_ =	swait.ge [sflag:s23], $0x1  }
0xa3: {  	[sflag:s23] =	ssyncset.done $0x0  }
0xa4: {  	s25 =	simm.s32 $0x1B8E;
	s24 =	sld [smem:$0x3FFE];
	[sflag:s23] =	ssyncadd.s32 $0xFFFFFFFF  }
0xa5: {  	s26 =	simm.s32 $execute0_lowered;
	[smem:$0x3FD2] =	sst s25  }
0xa6: {  	s5 =	sshll.u32 s26, $0x1;
	_ =	strace $0x80000049;
	[dreg:$0x1] =	wrdreg $0xFFFFFFFF  }
0xa7: {  	s28 =	simm.s32 $_size_execute0_lowered;
	s3 =	sadd.s32 s3, s5;
	[dreg:$0x0] =	wrdreg $0x0  }
0xa8: {  	s5 =	sshll.u32 s28, $0x1;
	[dreg:$0x2] =	wrdreg s3  }
0xa9: {  	[dreg:$0x3] =	wrdreg s5  }
0xaa: {  	[dreg:$0x4] =	wrdreg $0xC0  }
0xab: {  	_ =	task [dreg:s7], $0x5FFFF  }
0xac: {  	[dreg:$0x1] =	wrdreg $0xFFFFFFFF  }
0xad: {  	[dreg:$0x0] =	wrdreg $0x60  }
0xae: {  	[dreg:$0x2] =	wrdreg s24  }
0xaf: {  	[dreg:$0x3] =	wrdreg s2  }
0xb0: {  	[dreg:$0x4] =	wrdreg $0x9  }
0xb1: {  	_ =	task.clear_ibuf [dreg:s7], $0x5FFFF;
	_ =	strace $0x90000049  }
0xb2: {  	s29 =	simm.s32 $0x9;
	_ =	strace $0x8000004B  }
0xb3: {  	_ =	swait.ge [sflag:s29], $0x1  }
0xb4: {  	[sflag:s29] =	ssyncadd.s32 $0xFFFFFFFF  }
0xb5: {  	_ =	strace $0x9000004B  }
0xb6: {  	_ =	sfence  }
0xb7: {  	s30 =	sld [smem:$0x0];
	_ =	sdelay $0x2  }
0xb8: {  	s31 =	sshll.u32 s1, $0xD;
	s1 =	sshrl.u32 s1, $0x2  }
0xb9: {  	s3 =	sand.u32 $0x4000, s31;
	s1 =	sadd.s32 s1, s30  }
0xba: {  	s0 =	sor.u32 s3, s0;
	s1 =	sshll.u32 s1, $0x11  }
0xbb: {  	s0 =	sor.u32 s1, s0  }
0xbc: {  	s0 =	sadd.s32 $0x8F2B, s0  }
0xbd: {  	[sflag:s0] =	ssyncadd.remote.s32 $0x1  }
0xbe: {  	_ =	sfence.sel $0xFFFF  }
0xbf: {  	[dreg:$0x0] =	wrdreg $0xFFFFFFFF;
	(pc) =	sbr.abs _section_cstart, $3  }
0xc0: {  	[dreg:$0x1] =	wrdreg $0xFFFFFFFF  }
0xc1: {  	_ =	task.clear_ibuf [dreg:s7], $0x2FFFF;
	_ =	strace $0x9FFFFFFF  }
0xc2: {  	(tm) =	ssettm $0x7FFFFFFF  }
0xc3: {  	_ =	shalt  }
tec
execute0_lowered:
.L_overlay_start_1:
0x0: {  	(tag) =	ssettag $0x1  }
0x1: {  	s0 =	rddreg [dreg:$0x0]  }
0x2: {  	s1 =	rddreg [dreg:$0x1];
	s2 =	simm.s32 $0x0  }
0x3: {  	s28 =	srdreg.scid;
	s4 =	stileid.u32;
	s13 =	simm.s32 $0x80  }
0x4: {  	s11 =	simm.s32 $0x6A80;
	s12 =	simm.s32 $0x1780;
	s6 =	simm.s32 $0x7A80  }
0x5: {  	s9 =	simm.s32 $0x1880;
	s10 =	simm.s32 $0x1900;
	s14 =	simm.s32 $0x8A80  }
0x6: {  	s15 =	simm.s32 $0x1980;
	s16 =	simm.s32 $0x9280;
	s17 =	simm.s32 $0x1A00  }
0x7: {  	s18 =	simm.s32 $0x9A80;
	[smem:$0x7FF] =	sst s2;
	s3 =	sadd.s32 $0x932800, s0  }
0x8: {  	s19 =	simm.s32 $0x1;
	s26 =	sadd.s32 $0x932200, s0;
	s5 =	sadd.s32 $0x932400, s0  }
0x9: {  	s2 =	sand.u32 $0x1, s28;
	_ =	strace $0x8000004A;
	[dreg:$0x3] =	wrdreg s26  }
0xa: {  	s4 =	sshll.u32 s4, $0x1;
	s0 =	sadd.s32 $0x932600, s0;
	[dreg:$0x4] =	wrdreg s5  }
0xb: {  	[dreg:$0x5] =	wrdreg s0;
	s29 =	ssub.s32 $0x2, s2;
	s2 =	sor.u32 s2, s4  }
0xc: {  	s4 =	simm.s32 $0x7280;
	s5 =	simm.s32 $0x1800;
	s30 =	sshrl.u32 s29, $0x1  }
0xd: {  	s31 =	sshll.u32 s2, $0xC;
	s2 =	sshll.u32 s2, $0x7;
	s0 =	ssub.s32 s29, s30  }
0xe: {  	s7 =	sadd.s32 $0x280, s2;
	s8 =	sadd.s32 s1, s31;
	s0 =	smax.u32 s0, $0x1  }
0xf: {  	v0 =	vimm.s32 $0x0;
	s1 =	simm.s32 $0x8280;
	s2 =	simm.s32 $0x0;
	[dreg:$0x6] =	wrdreg s0  }
.LBB2_1:
0x10: {  	[dreg:$0x7] =	wrdreg s2  }
0x11: {  	s0 =	simm.s32 $0x0;
	s28 =	rddreg [dreg:$0x3];
	s20 =	simm.s32 $0x2  }
0x12: {  	[tilespmem:s0], [sflag:$0x2] =	stream.linear.gather [hbm4b:s28+s0], $0x180, $0x38;
	[tilespmem:$0xC280] =	vst v63  }
0x13: {  	_ =	swait.ge [sflag:s20], $0x180  }
0x14: {  	[sflag:s20] =	ssyncset.done $0x0  }
0x15: {  	s21 =	simm.s32 $0x180;
	s29 =	rddreg [dreg:$0x4];
	[sflag:s20] =	ssyncadd.s32 $0xFFFFFE80  }
0x16: {  	[tilespmem:s21], [sflag:$0x2] =	stream.linear.gather [hbm4b:s29+s0], $0x100, $0x38;
	[tilespmem:$0xC280] =	vst v63  }
0x17: {  	_ =	swait.ge [sflag:s20], $0x100  }
0x18: {  	[sflag:s20] =	ssyncset.done $0x0  }
0x19: {  	s31 =	simm.s32 $0x280;
	s30 =	rddreg [dreg:$0x5];
	[sflag:s20] =	ssyncadd.s32 $0xFFFFFF00  }
0x1a: {  	[tilespmem:s31], [sflag:$0x2] =	stream.linear.gather [hbm4b:s30+s0], $0x1000, $0x38;
	[tilespmem:$0xC280] =	vst v63  }
0x1b: {  	_ =	swait.ge [sflag:s20], $0x1000  }
0x1c: {  	[sflag:s20] =	ssyncset.done $0x0  }
0x1d: {  	[sflag:s20] =	ssyncadd.s32 $0xFFFFF000;
	s20 =	simm.s32 $0x0  }
.LBB2_2:
0x1e: {  	s21 =	smul.u32 $0xAB, s20;
	_ =	sdelay $0x1  }
0x1f: {  	s22 =	sshrl.u32 s21, $0xA  }
0x20: {  	s21 =	sand.u32 $0x3F, s22  }
0x21: {  	s21 =	smul.u32 $0x6, s21;
	_ =	sdelay $0x1  }
0x22: {  	p0 =	sgt.u32 s20, $0x17;
	s23 =	simm.s32 $0x6;
	s21 =	ssub.s32 s20, s21  }
0x23: {  	s23 =	simm.s32 @!p0 $0x0;
	s21 =	sand.u32 $0xFF, s21  }
0x24: {  	s24 =	sadd.s32 s21, s23  }
0x25: {  	s25 =	sshll.u32 s24, $0x5  }
0x26: {  	v7 =	vld [tilespmem:s25+$0x0];
	_ =	sdelay $0x4  }
0x27: {  	(v2sf) =	vpush v7, $0x6  }
0x28: {  	(v2sf) =	vpush v7, $0x9  }
0x29: {  	(v2sf) =	vpush v7, $0x7;
	_ =	sdelay $0x1  }
0x2a: {  	s22 =	sand.u32 $0x3, s22;
	(v2sf) =	vpush v7, $0x8  }
0x2b: {  	s0 =	sshll.u32 s22, $0x5  }
0x2c: {  	s23 =	sadd.s32 s0, s7  }
0x2d: {  	v1 =	vmov s23  }
0x2e: {  	s23 =	simm.s32 $0x0  }
0x2f: {  	s26 =	sand.u32 $0xF0, s23  }
0x30: {  	v8 =	vld [tilespmem:s26+$0x180]  }
0x31: {  	s28 =	sand.u32 $0x10, s23  }
0x32: {  	v9 =	vld.idx.msk [tilespmem:v1+s28+$0x0 ss:$0x1], $0xffff  }
0x33: {  	v2 =	vbroadcast v7, $0x0;
	v5 =	vbroadcast v7, $0x4  }
0x34: {  	v3 =	vbroadcast v7, $0x3;
	v4 =	vbroadcast v7, $0x1  }
0x35: {  	v6 =	vbroadcast v7, $0x2;
	v10 =	vmul.f32 v8, v5;
	s2 =	spop (v2sf)  }
0x36: {  	v11 =	vmul.f32 v8, v3;
	v7 =	vbroadcast v7, $0x5;
	s28 =	spop (v2sf)  }
0x37: {  	v23 =	vld [tilespmem:s25+$0x10];
	v12 =	vmul.f32 v9, v2;
	v13 =	vmul.f32 v9, v4;
	s29 =	spop (v2sf);
	s26 =	smul.f32 s28, s2  }
0x38: {  	v14 =	vmul.f32 v9, v6;
	v8 =	vmul.f32 v8, v7;
	s31 =	smul.f32 s28, s29  }
0x39: {  	v11 =	vadd.f32 v12, v11;
	v12 =	vadd.f32 v13, v10;
	s29 =	spop (v2sf)  }
0x3a: {  	v8 =	vadd.f32 v14, v8;
	s28 =	smul.f32 s28, s29;
	v9 =	vmov s26;
	v10 =	vmov s31  }
0x3b: {  	v15 =	vadd.f32 v11, v9;
	v16 =	vadd.f32 v12, v10  }
0x3c: {  	v13 =	vbroadcast v23, $0x9;
	v14 =	vbroadcast v23, $0xA;
	v11 =	vmov s28  }
0x3d: {  	v8 =	vadd.f32 v8, v11;
	v17 =	vshrl.u32 v15, $0x10;
	v18 =	vshrl.u32 v16, $0x10  }
0x3e: {  	v12 =	vbroadcast v23, $0x8;
	v17 =	vand.u32 $0x1, v17;
	v18 =	vand.u32 $0x1, v18  }
0x3f: {  	v19 =	vshrl.u32 v8, $0x10;
	v15 =	vadd.s32 v17, v15;
	v16 =	vadd.s32 v18, v16  }
0x40: {  	v17 =	vand.u32 $0x1, v19;
	v15 =	vadd.s32 $0x7FFF, v15;
	v16 =	vadd.s32 $0x7FFF, v16  }
0x41: {  	v8 =	vadd.s32 v17, v8;
	v22 =	vand.u32 $0xFFFF0000, v15;
	v24 =	vand.u32 $0xFFFF0000, v16  }
0x42: {  	v8 =	vadd.s32 $0x7FFF, v8;
	v18 =	vmul.f32 v22, v12;
	v19 =	vmul.f32 v24, v13  }
0x43: {  	v20 =	vbroadcast v23, $0x6;
	v21 =	vbroadcast v23, $0xB;
	v8 =	vand.u32 $0xFFFF0000, v8  }
0x44: {  	v15 =	vbroadcast v23, $0x0;
	v26 =	vmul.f32 v8, v14;
	v25 =	vadd.f32 v19, v18  }
0x45: {  	v17 =	vbroadcast v23, $0x2;
	v16 =	vbroadcast v23, $0x1  }
0x46: {  	v18 =	vbroadcast v23, $0x4;
	v19 =	vbroadcast v23, $0x5;
	v25 =	vadd.f32 v25, v26  }
0x47: {  	v27 =	vmul.f32 v24, v16;
	v26 =	vmul.f32 v22, v15  }
0x48: {  	v22 =	vmul.f32 v22, v18;
	v24 =	vmul.f32 v24, v19;
	v25 =	vadd.f32 v25, v21  }
0x49: {  	s24 =	smul.u32 $0xC400, s24;
	v29 =	vmul.f32 v8, v20;
	v26 =	vadd.f32 v27, v26  }
0x4a: {  	v27 =	vmul.f32 v8, v17;
	v28 =	vadd.f32 v24, v22;
	v30 =	vadd.f32 $1.000000010e-07, v25  }
0x4b: {  	s30 =	simm.s32 $0x1;
	s25 =	simm.s32 $0x1280;
	s29 =	simm.s32 $0x1E80;
	v22 =	vbroadcast v23, $0x3;
	v23 =	vbroadcast v23, $0x7;
	v8 =	vmov s24  }
0x4c: {  	s26 =	simm.s32 $0x1E80;
	s28 =	simm.s32 $0x1280;
	s24 =	simm.s32 $0x0;
	v24 =	vadd.f32 v26, v27;
	v25 =	vadd.f32 v28, v29;
	(erf) = vrcp.f32 v30  }
.LBB2_3:
0x4d: {  	_ =	sdelay $0x1  }
0x4e: {  	s23 =	sadd.s32 $0x10, s23;
	s28 =	sadd.s32 $0x10, s28;
	s29 =	sadd.s32 $0x10, s29  }
0x4f: {  	p0 =	sne.s32 s30, $0x1F;
	s31 =	smov.u32 s30;
	s30 =	sadd.s32 $0x1, s30  }
0x50: {  	_ =	sdelay $0x2  }
0x51: {  	v24 =	vadd.f32 v24, v22;
	v25 =	vadd.f32 v25, v23  }
0x52: {  	v26 =	vpop (erf)  }
0x53: {  	s31 =	sand.u32 $0x10, s31;
	v24 =	vmul.f32 v26, v24;
	v25 =	vmul.f32 v26, v25;
	_ =	sdelay $0x1  }
0x54: {  	v26 =	vmax.f32 v24, $-4.000000000e+00;
	v27 =	vmax.f32 v25, $-4.000000000e+00  }
0x55: {  	v26 =	vmin.f32 v26, $2.280000000e+02;
	v27 =	vmin.f32 v27, $2.280000000e+02  }
0x56: {  	v28 =	vtrunc.f32 v26;
	v29 =	vtrunc.f32 v27  }
0x57: {  	v30 =	vcvt.f32.s32 v28;
	v31 =	vcvt.f32.s32 v29;
	vm0 =	vlt.f32 v26, v28  }
0x58: {  	v26 =	vsel vm0, $0xFFFFFFFF, v0;
	vm0 =	vlt.f32 v27, v29  }
0x59: {  	v26 =	vadd.s32 v30, v26;
	v27 =	vsel vm0, $0xFFFFFFFF, v0  }
0x5a: {  	v27 =	vadd.s32 v31, v27;
	v28 =	vadd.s32 $0x1, v26;
	vm0 =	vgt.s32 v26, $0x0  }
0x5b: {  	v29 =	vadd.s32 $0x1, v27;
	v26 =	vnsel vm0, $0x0, v26;
	vm0 =	vgt.s32 v28, $0x0  }
0x5c: {  	v26 =	vmin.u32 v26, $0xDF;
	v28 =	vnsel vm0, $0x0, v28;
	vm0 =	vgt.s32 v29, $0x0  }
0x5d: {  	v28 =	vmin.u32 v28, $0xDF;
	v29 =	vnsel vm0, $0x0, v29;
	v30 =	vcvt.s32.f32 v26  }
0x5e: {  	vm0 =	vgt.s32 v27, $0x0;
	v29 =	vmin.u32 v29, $0xDF;
	v31 =	vcvt.s32.f32 v28  }
0x5f: {  	v27 =	vnsel vm0, $0x0, v27;
	v32 =	vcvt.s32.f32 v29;
	v29 =	vmul.u32 $0xE0, v29  }
0x60: {  	v27 =	vmin.u32 v27, $0xDF;
	v31 =	vsub.f32 v31, v24  }
0x61: {  	v33 =	vcvt.s32.f32 v27;
	v24 =	vsub.f32 v24, v30;
	v30 =	vsub.f32 v32, v25  }
0x62: {  	v27 =	vmul.u32 $0xE0, v27;
	v29 =	vadd.s32 v8, v29  }
0x63: {  	v25 =	vsub.f32 v25, v33;
	v32 =	vmul.f32 v30, v31;
	v30 =	vmul.f32 v30, v24  }
0x64: {  	v27 =	vadd.s32 v8, v27;
	v33 =	vadd.s32 v26, v29;
	v29 =	vadd.s32 v28, v29  }
0x65: {  	v31 =	vmul.f32 v31, v25;
	v24 =	vmul.f32 v25, v24;
	v25 =	vadd.s32 v26, v27;
	[tilespmem:s26+$0x0] =	vst v30  }
0x66: {  	v26 =	vadd.s32 v28, v27;
	[tilespmem:s26+$0xFFFFFC00] =	vst v32  }
0x67: {  	[tilespmem:s26+$0xFFFFFE00] =	vst v31  }
0x68: {  	[tilespmem:s26+$0x200] =	vst v24;
	s26 =	smov.u32 s29  }
0x69: {  	s0 =	sand.u32 $0x1F0, s24;
	s24 =	smov.u32 s23;
	[tilespmem:s25+$0x0] =	vst v25;
	s25 =	smov.u32 s28  }
0x6a: {  	[tilespmem:s0+$0x1480] =	vst v33  }
0x6b: {  	[tilespmem:s0+$0x1680] =	vst v26  }
0x6c: {  	s2 =	sand.u32 $0xF0, s23;
	[tilespmem:s0+$0x1880] =	vst v29  }
0x6d: {  	v24 =	vld [tilespmem:s2+$0x180]  }
0x6e: {  	v25 =	vld.idx.msk [tilespmem:v1+s31+$0x0 ss:$0x1], $0xffff;
	_ =	sdelay $0x3  }
0x6f: {  	v26 =	vmul.f32 v24, v5  }
0x70: {  	v27 =	vmul.f32 v24, v3;
	v24 =	vmul.f32 v24, v7  }
0x71: {  	v28 =	vmul.f32 v25, v2;
	v29 =	vmul.f32 v25, v4  }
0x72: {  	v25 =	vmul.f32 v25, v6  }
0x73: {  	v27 =	vadd.f32 v28, v27;
	v26 =	vadd.f32 v29, v26  }
0x74: {  	v24 =	vadd.f32 v25, v24  }
0x75: {  	v25 =	vadd.f32 v27, v9;
	v26 =	vadd.f32 v26, v10  }
0x76: {  	v24 =	vadd.f32 v24, v11  }
0x77: {  	v27 =	vshrl.u32 v25, $0x10;
	v28 =	vshrl.u32 v26, $0x10  }
0x78: {  	v29 =	vshrl.u32 v24, $0x10;
	v27 =	vand.u32 $0x1, v27;
	v28 =	vand.u32 $0x1, v28  }
0x79: {  	v25 =	vadd.s32 v27, v25;
	v26 =	vadd.s32 v28, v26;
	v27 =	vand.u32 $0x1, v29  }
0x7a: {  	v25 =	vadd.s32 $0x7FFF, v25;
	v26 =	vadd.s32 $0x7FFF, v26;
	v24 =	vadd.s32 v27, v24  }
0x7b: {  	v25 =	vand.u32 $0xFFFF0000, v25;
	v26 =	vand.u32 $0xFFFF0000, v26;
	v24 =	vadd.s32 $0x7FFF, v24  }
0x7c: {  	v27 =	vmul.f32 v25, v12;
	v28 =	vmul.f32 v26, v13  }
0x7d: {  	v29 =	vand.u32 $0xFFFF0000, v24;
	v24 =	vmul.f32 v25, v15;
	v30 =	vmul.f32 v26, v16  }
0x7e: {  	v25 =	vmul.f32 v25, v18;
	v27 =	vadd.f32 v28, v27;
	v28 =	vmul.f32 v29, v14  }
0x7f: {  	v26 =	vmul.f32 v26, v19;
	v24 =	vadd.f32 v30, v24;
	v30 =	vmul.f32 v29, v17  }
0x80: {  	v27 =	vadd.f32 v27, v28  }
0x81: {  	v25 =	vadd.f32 v26, v25;
	v26 =	vmul.f32 v29, v20;
	v24 =	vadd.f32 v24, v30  }
.Ltmp0:
0x82: {  	v27 =	vadd.f32 v27, v21;
	(pc) =	sbr.rel @p0 .LBB2_3-.Ltmp0, $3  }
0x83: {  	v25 =	vadd.f32 v25, v26  }
0x84: {  	v26 =	vadd.f32 $1.000000010e-07, v27;
	_ =	sdelay $0x1  }
0x85: {  	(erf) = vrcp.f32 v26  }
0x86: {  	_ =	sdelay $0x6  }
0x87: {  	v1 =	vadd.f32 v24, v22  }
0x88: {  	v2 =	vadd.f32 v25, v23;
	v3 =	vpop (erf)  }
0x89: {  	v1 =	vmul.f32 v3, v1  }
0x8a: {  	v2 =	vmul.f32 v3, v2  }
0x8b: {  	v3 =	vmax.f32 v1, $-4.000000000e+00  }
0x8c: {  	v4 =	vmax.f32 v2, $-4.000000000e+00;
	v3 =	vmin.f32 v3, $2.280000000e+02  }
0x8d: {  	v4 =	vmin.f32 v4, $2.280000000e+02;
	v5 =	vtrunc.f32 v3  }
0x8e: {  	v6 =	vtrunc.f32 v4;
	v7 =	vcvt.f32.s32 v5  }
0x8f: {  	v9 =	vcvt.f32.s32 v6;
	vm0 =	vlt.f32 v3, v5;
	vm1 =	vlt.f32 v4, v6  }
0x90: {  	v3 =	vsel vm0, $0xFFFFFFFF, v0;
	v4 =	vsel vm1, $0xFFFFFFFF, v0  }
0x91: {  	v3 =	vadd.s32 v7, v3;
	v4 =	vadd.s32 v9, v4  }
0x92: {  	v59 =	vadd.s32 $0x1, v3;
	vm12 =	vgt.s32 v3, $0x0;
	v60 =	vadd.s32 $0x1, v4  }
0x93: {  	vm15 =	vgt.s32 v4, $0x0;
	v3 =	vnsel vm12, $0x0, v3;
	vm14 =	vgt.s32 v60, $0x0  }
0x94: {  	vm13 =	vgt.s32 v59, $0x0;
	v4 =	vnsel vm15, $0x0, v4;
	v6 =	vnsel vm14, $0x0, v60  }
0x95: {  	v5 =	vnsel vm13, $0x0, v59;
	v3 =	vmin.u32 v3, $0xDF;
	v6 =	vmin.u32 v6, $0xDF  }
0x96: {  	v5 =	vmin.u32 v5, $0xDF;
	v61 =	vcvt.s32.f32 v3;
	v62 =	vcvt.s32.f32 v6  }
0x97: {  	v4 =	vmin.u32 v4, $0xDF;
	v10 =	vcvt.s32.f32 v5  }
0x98: {  	v11 =	vcvt.s32.f32 v4;
	v7 =	vsub.f32 v1, v61;
	v9 =	vsub.f32 v62, v2  }
0x99: {  	v1 =	vsub.f32 v10, v1  }
0x9a: {  	v2 =	vsub.f32 v2, v11;
	v63 =	vmul.f32 v9, v7  }
0x9b: {  	v9 =	vmul.f32 v9, v1  }
0x9c: {  	v4 =	vmul.u32 $0xE0, v4;
	v1 =	vmul.f32 v1, v2;
	[tilespmem:s26+$0x0] =	vst v63  }
0x9d: {  	v6 =	vmul.u32 $0xE0, v6;
	v2 =	vmul.f32 v2, v7;
	[tilespmem:s26+$0xFFFFFC00] =	vst v9  }
0x9e: {  	v4 =	vadd.s32 v8, v4;
	[tilespmem:s26+$0xFFFFFE00] =	vst v1  }
0x9f: {  	[tilespmem:s26+$0x200] =	vst v2;
	v1 =	vadd.s32 v8, v6;
	v2 =	vadd.s32 v3, v4  }
0xa0: {  	s0 =	sand.u32 $0x1F0, s24;
	v3 =	vadd.s32 v3, v1;
	[tilespmem:s25+$0x0] =	vst v2  }
0xa1: {  	v2 =	vadd.s32 v5, v4;
	[tilespmem:s0+$0x1480] =	vst v3  }
0xa2: {  	v1 =	vadd.s32 v5, v1;
	[tilespmem:s0+$0x1680] =	vst v2  }
0xa3: {  	s31 =	simm.s32 $0x1280;
	s2 =	simm.s32 $0x2280;
	[tilespmem:s0+$0x1880] =	vst v1  }
0xa4: {  	[tilespmem:s2], [sflag:$0x1] =	stream.indirect.gather [hbm4b:s3+s13], $0x10, s31, s13, $0xb8;
	[tilespmem:$0xC280] =	vst v63  }
0xa5: {  	s23 =	simm.s32 $0x1300;
	s24 =	simm.s32 $0x2A80  }
0xa6: {  	[tilespmem:s24], [sflag:$0x1] =	stream.indirect.gather [hbm4b:s3+s13], $0x10, s23, s13, $0xb8;
	[tilespmem:$0xC280] =	vst v63  }
0xa7: {  	s26 =	simm.s32 $0x3280;
	s25 =	simm.s32 $0x1380  }
0xa8: {  	[tilespmem:s26], [sflag:$0x1] =	stream.indirect.gather [hbm4b:s3+s13], $0x10, s25, s13, $0xb8;
	[tilespmem:$0xC280] =	vst v63  }
0xa9: {  	s28 =	simm.s32 $0x1400;
	s29 =	simm.s32 $0x3A80  }
0xaa: {  	[tilespmem:s29], [sflag:$0x1] =	stream.indirect.gather [hbm4b:s3+s13], $0x10, s28, s13, $0xb8;
	[tilespmem:$0xC280] =	vst v63  }
0xab: {  	s30 =	simm.s32 $0x1480;
	s31 =	simm.s32 $0x4280  }
0xac: {  	[tilespmem:s31], [sflag:$0x1] =	stream.indirect.gather [hbm4b:s3+s13], $0x10, s30, s13, $0xb8;
	[tilespmem:$0xC280] =	vst v63  }
0xad: {  	s2 =	simm.s32 $0x1500;
	s23 =	simm.s32 $0x4A80  }
0xae: {  	[tilespmem:s23], [sflag:$0x1] =	stream.indirect.gather [hbm4b:s3+s13], $0x10, s2, s13, $0xb8;
	[tilespmem:$0xC280] =	vst v63  }
0xaf: {  	s24 =	simm.s32 $0x1580;
	s25 =	simm.s32 $0x5280  }
0xb0: {  	[tilespmem:s25], [sflag:$0x1] =	stream.indirect.gather [hbm4b:s3+s13], $0x10, s24, s13, $0xb8;
	[tilespmem:$0xC280] =	vst v63  }
0xb1: {  	s26 =	simm.s32 $0x1600;
	s28 =	simm.s32 $0x5A80  }
0xb2: {  	[tilespmem:s28], [sflag:$0x1] =	stream.indirect.gather [hbm4b:s3+s13], $0x10, s26, s13, $0xb8;
	[tilespmem:$0xC280] =	vst v63  }
0xb3: {  	s29 =	simm.s32 $0x1680;
	s30 =	simm.s32 $0x6280  }
0xb4: {  	[tilespmem:s30], [sflag:$0x1] =	stream.indirect.gather [hbm4b:s3+s13], $0x10, s29, s13, $0xb8;
	[tilespmem:$0xC280] =	vst v63  }
0xb5: {  	s31 =	simm.s32 $0x1700  }
0xb6: {  	[tilespmem:s11], [sflag:$0x1] =	stream.indirect.gather [hbm4b:s3+s13], $0x10, s31, s13, $0xb8;
	[tilespmem:$0xC280] =	vst v63  }
0xb7: {  	_ = 	snop  }
0xb8: {  	[tilespmem:s4], [sflag:$0x1] =	stream.indirect.gather [hbm4b:s3+s13], $0x10, s12, s13, $0xb8;
	[tilespmem:$0xC280] =	vst v63  }
0xb9: {  	_ = 	snop  }
0xba: {  	[tilespmem:s6], [sflag:$0x1] =	stream.indirect.gather [hbm4b:s3+s13], $0x10, s5, s13, $0xb8;
	[tilespmem:$0xC280] =	vst v63  }
0xbb: {  	_ = 	snop  }
0xbc: {  	[tilespmem:s1], [sflag:$0x1] =	stream.indirect.gather [hbm4b:s3+s13], $0x10, s9, s13, $0xb8;
	[tilespmem:$0xC280] =	vst v63  }
0xbd: {  	_ = 	snop  }
0xbe: {  	[tilespmem:s14], [sflag:$0x1] =	stream.indirect.gather [hbm4b:s3+s13], $0x10, s10, s13, $0xb8;
	[tilespmem:$0xC280] =	vst v63  }
0xbf: {  	_ = 	snop  }
0xc0: {  	[tilespmem:s16], [sflag:$0x1] =	stream.indirect.gather [hbm4b:s3+s13], $0x10, s15, s13, $0xb8;
	[tilespmem:$0xC280] =	vst v63  }
0xc1: {  	_ = 	snop  }
0xc2: {  	[tilespmem:s18], [sflag:$0x1] =	stream.indirect.gather [hbm4b:s3+s13], $0x10, s17, s13, $0xb8;
	[tilespmem:$0xC280] =	vst v63  }
0xc3: {  	_ =	swait.ge [sflag:s19], $0x8000  }
0xc4: {  	[sflag:s19] =	ssyncset.done $0x0  }
0xc5: {  	s23 =	simm.s32 $0x0;
	s24 =	simm.s32 $0x1E80;
	[sflag:s19] =	ssyncadd.s32 $0xFFFF8000  }
.LBB2_5:
0xc6: {  	v4 =	vld [tilespmem:s24+$0xFFFFFC00]  }
0xc7: {  	v3 =	vld [tilespmem:s24+$0xFFFFFE00]  }
0xc8: {  	v2 =	vld [tilespmem:s24+$0x0]  }
0xc9: {  	v1 =	vld [tilespmem:s24+$0x200];
	s25 =	sshra.s32 s23, $0x2  }
0xca: {  	v5 =	vld [tilespmem:s25+$0x2280]  }
0xcb: {  	v6 =	vld [tilespmem:s25+$0x4280]  }
0xcc: {  	v7 =	vld [tilespmem:s25+$0x6280]  }
0xcd: {  	v8 =	vld [tilespmem:s25+$0x8280]  }
0xce: {  	v9 =	vld [tilespmem:s25+$0xA280]  }
0xcf: {  	v10 =	vld [tilespmem:s25+$0x2290]  }
0xd0: {  	v11 =	vld [tilespmem:s25+$0x4290]  }
0xd1: {  	v12 =	vld [tilespmem:s25+$0x6290]  }
0xd2: {  	v13 =	vld [tilespmem:s25+$0x8290]  }
0xd3: {  	v14 =	vld [tilespmem:s25+$0xA290];
	v15 =	vbroadcast v4, $0x0  }
0xd4: {  	v16 =	vld [tilespmem:s25+$0x22A0];
	v17 =	vbroadcast v3, $0x0;
	v44 =	vbroadcast v2, $0x0  }
0xd5: {  	v18 =	vld [tilespmem:s25+$0x42A0];
	v46 =	vbroadcast v1, $0x0;
	v49 =	vbroadcast v4, $0x1  }
0xd6: {  	v43 =	vld [tilespmem:s25+$0x62A0];
	v22 =	vbroadcast v3, $0x1;
	v52 =	vbroadcast v2, $0x1  }
0xd7: {  	v19 =	vld [tilespmem:s25+$0x82A0];
	v53 =	vbroadcast v4, $0x2;
	v54 =	vbroadcast v3, $0x2  }
0xd8: {  	v20 =	vld [tilespmem:s25+$0xA2A0];
	v55 =	vbroadcast v1, $0x1;
	v58 =	vbroadcast v2, $0x2  }
0xd9: {  	v47 =	vld [tilespmem:s25+$0x22B0];
	v61 =	vbroadcast v1, $0x2;
	v62 =	vbroadcast v4, $0x3  }
0xda: {  	v21 =	vld [tilespmem:s25+$0x42B0];
	v31 =	vbroadcast v3, $0x3;
	v34 =	vbroadcast v2, $0x3  }
0xdb: {  	v50 =	vld [tilespmem:s25+$0x62B0];
	v36 =	vbroadcast v1, $0x3;
	v37 =	vbroadcast v4, $0x4  }
0xdc: {  	v23 =	vld [tilespmem:s25+$0x82B0];
	v39 =	vbroadcast v3, $0x4;
	v41 =	vbroadcast v2, $0x4  }
0xdd: {  	v24 =	vld [tilespmem:s25+$0x22C0];
	v5 =	vmul.f32 v5, v15;
	v6 =	vmul.f32 v6, v17  }
0xde: {  	v25 =	vld [tilespmem:s25+$0x42C0];
	v45 =	vmul.f32 v7, v44;
	v48 =	vmul.f32 v8, v46  }
0xdf: {  	v56 =	vld [tilespmem:s25+$0x62C0];
	v51 =	vmul.f32 v10, v49;
	v11 =	vmul.f32 v11, v22  }
0xe0: {  	v59 =	vld [tilespmem:s25+$0x82C0];
	v7 =	vmul.f32 v12, v52;
	v16 =	vmul.f32 v16, v53  }
0xe1: {  	v63 =	vld [tilespmem:s25+$0x22D0];
	v57 =	vmul.f32 v18, v54;
	v60 =	vmul.f32 v13, v55  }
0xe2: {  	v32 =	vld [tilespmem:s25+$0x42D0];
	v12 =	vmul.f32 v43, v58;
	v30 =	vmul.f32 v19, v61  }
0xe3: {  	v35 =	vld [tilespmem:s25+$0x62D0];
	v33 =	vmul.f32 v47, v62;
	v8 =	vmul.f32 v50, v34  }
0xe4: {  	v40 =	vld [tilespmem:s25+$0x22E0];
	v38 =	vmul.f32 v23, v36;
	v42 =	vmul.f32 v25, v39  }
0xe5: {  	v26 =	vld [tilespmem:s25+$0x82D0];
	v43 =	vbroadcast v1, $0x4;
	v46 =	vbroadcast v4, $0x5  }
0xe6: {  	v27 =	vld [tilespmem:s25+$0x42E0];
	v49 =	vbroadcast v3, $0x5;
	v52 =	vbroadcast v2, $0x5  }
0xe7: {  	v28 =	vld [tilespmem:s25+$0xA2F0];
	v55 =	vbroadcast v4, $0x6;
	v61 =	vbroadcast v2, $0x6;
	v5 =	vadd.f32 v6, v5  }
0xe8: {  	v29 =	vld [tilespmem:s25+$0x2300];
	v6 =	vadd.f32 v11, v51;
	v11 =	vmul.f32 v21, v31;
	v51 =	vmul.f32 v63, v46  }
0xe9: {  	v44 =	vld [tilespmem:s25+$0x62E0];
	v54 =	vmul.f32 v32, v49;
	v18 =	vmul.f32 v40, v55  }
0xea: {  	v10 =	vld [tilespmem:s25+$0xA2B0];
	v32 =	vbroadcast v1, $0x6;
	v5 =	vadd.f32 v45, v5;
	v6 =	vadd.f32 v7, v6  }
0xeb: {  	v13 =	vld [tilespmem:s25+$0xA2C0];
	v49 =	vbroadcast v3, $0x8;
	v11 =	vadd.f32 v11, v33;
	v45 =	vmul.f32 v56, v41  }
0xec: {  	v15 =	vld [tilespmem:s25+$0xA2D0];
	v41 =	vbroadcast v3, $0x7;
	v5 =	vadd.f32 v48, v5;
	v6 =	vadd.f32 v60, v6  }
0xed: {  	v56 =	vld [tilespmem:s25+$0x42F0];
	v8 =	vadd.f32 v8, v11;
	v48 =	vmul.f32 v59, v43;
	v59 =	vbroadcast v1, $0x5  }
0xee: {  	v53 =	vld [tilespmem:s25+$0x22F0];
	v31 =	vmul.f32 v44, v61;
	v44 =	vbroadcast v2, $0x7;
	v9 =	vmax.f32 v9, v5  }
0xef: {  	p0 =	seq.s32 s21, $0x0;
	v47 =	vld [tilespmem:s25+$0x82E0];
	v14 =	vmax.f32 v14, v6;
	v8 =	vadd.f32 v38, v8;
	v63 =	vmul.f32 v26, v59  }
0xf0: {  	v50 =	vld [tilespmem:s25+$0xA2E0];
	v38 =	vbroadcast v4, $0x7;
	v59 =	vbroadcast v3, $0x9;
	v5 =	vpsel p0, v5, v9  }
0xf1: {  	v58 =	vld [tilespmem:s25+$0x62F0];
	v9 =	vadd.f32 v57, v16;
	v16 =	vmul.f32 v35, v52;
	v57 =	vbroadcast v3, $0x6  }
0xf2: {  	v39 =	vld [tilespmem:s25+$0x8300];
	v6 =	vpsel p0, v6, v14;
	v46 =	vmul.f32 v56, v41;
	v56 =	vbroadcast v4, $0x9  }
0xf3: {  	v60 =	vld [tilespmem:s25+$0x82F0];
	v10 =	vmax.f32 v10, v8;
	v43 =	vmul.f32 v53, v38;
	v53 =	vbroadcast v2, $0x8  }
0xf4: {  	v35 =	vld [tilespmem:s25+$0x6300];
	v38 =	vbroadcast v3, $0xA;
	v9 =	vadd.f32 v12, v9;
	v17 =	vmul.f32 v27, v57  }
0xf5: {  	v25 =	vld [tilespmem:s25+$0xA310];
	v12 =	vadd.f32 v54, v51;
	v51 =	vbroadcast v1, $0x7;
	v54 =	vbroadcast v1, $0x8  }
0xf6: {  	v55 =	vld [tilespmem:s25+$0x2320];
	v7 =	vadd.f32 v30, v9;
	v9 =	vmul.f32 v24, v37;
	v37 =	vmul.f32 v47, v32  }
0xf7: {  	v33 =	vld [tilespmem:s25+$0x4300];
	v30 =	vadd.f32 v17, v18;
	v47 =	vbroadcast v4, $0x8;
	v17 =	vmul.f32 v58, v44  }
0xf8: {  	v57 =	vld [tilespmem:s25+$0x4320];
	v62 =	vadd.f32 v16, v12;
	v16 =	vmul.f32 v60, v51;
	v58 =	vmul.f32 v39, v54  }
0xf9: {  	v52 =	vld [tilespmem:s25+$0x8310];
	v8 =	vpsel p0, v8, v10;
	v44 =	vbroadcast v4, $0xB;
	v12 =	vmul.f32 v35, v53  }
0xfa: {  	v60 =	vld [tilespmem:s25+$0x6320];
	v20 =	vmax.f32 v20, v7;
	v9 =	vadd.f32 v42, v9;
	v11 =	vadd.f32 v63, v62  }
0xfb: {  	v39 =	vld [tilespmem:s25+$0x4330];
	v36 =	vadd.f32 v31, v30;
	v14 =	vmul.f32 v29, v47;
	v62 =	vbroadcast v2, $0x9  }
0xfc: {  	v53 =	vld [tilespmem:s25+$0x6340];
	v7 =	vpsel p0, v7, v20;
	v20 =	vmul.f32 v33, v49;
	v33 =	vbroadcast v1, $0x9  }
0xfd: {  	v29 =	vld [tilespmem:s25+$0x6330];
	v41 =	vmul.f32 v57, v38;
	v49 =	vbroadcast v2, $0xB;
	v40 =	vmax.f32 v15, v11  }
0xfe: {  	v31 =	vld [tilespmem:s25+$0x8350];
	v57 =	vbroadcast v3, $0xC;
	v9 =	vadd.f32 v45, v9;
	v10 =	vpsel p0, v11, v40  }
0xff: {  	v45 =	vld [tilespmem:s25+$0x2310];
	v11 =	vadd.f32 v46, v43;
	v40 =	vbroadcast v2, $0xA;
	v46 =	vbroadcast v3, $0xB  }
0x100: {  	v42 =	vld [tilespmem:s25+$0xA300];
	v15 =	vmul.f32 v52, v33;
	v52 =	vbroadcast v1, $0xB  }
0x101: {  	v43 =	vld [tilespmem:s25+$0x8330];
	v9 =	vadd.f32 v48, v9;
	v18 =	vmul.f32 v60, v40;
	v51 =	vmul.f32 v39, v46  }
0x102: {  	v14 =	vadd.f32 v20, v14;
	v48 =	vld [tilespmem:s25+$0x4310];
	v54 =	vmul.f32 v29, v49;
	v39 =	vbroadcast v1, $0xD  }
0x103: {  	v63 =	vld [tilespmem:s25+$0x8320];
	v34 =	vmax.f32 v13, v9;
	v13 =	vadd.f32 v37, v36;
	v36 =	vbroadcast v4, $0xA  }
0x104: {  	v47 =	vld [tilespmem:s25+$0x2340];
	v12 =	vadd.f32 v12, v14;
	v61 =	vmul.f32 v45, v56;
	v46 =	vmul.f32 v31, v39  }
0x105: {  	v30 =	vld [tilespmem:s25+$0x2350];
	v11 =	vadd.f32 v17, v11;
	v20 =	vmul.f32 v55, v36;
	v55 =	vbroadcast v4, $0xC  }
0x106: {  	v37 =	vld [tilespmem:s25+$0x2330];
	v12 =	vadd.f32 v58, v12;
	v19 =	vmul.f32 v43, v52;
	v36 =	vbroadcast v2, $0xD  }
0x107: {  	v21 =	vmax.f32 v50, v13;
	v50 =	vld [tilespmem:s25+$0x6310];
	v43 =	vbroadcast v4, $0xE;
	v17 =	vmul.f32 v48, v59  }
0x108: {  	v40 =	vld [tilespmem:s25+$0x2370];
	v24 =	vmax.f32 v42, v12;
	v42 =	vbroadcast v1, $0xA;
	v59 =	vbroadcast v2, $0xC  }
0x109: {  	v9 =	vpsel p0, v9, v34;
	v56 =	vld [tilespmem:s25+$0x8340];
	v58 =	vmul.f32 v47, v55;
	v47 =	vbroadcast v3, $0xE  }
0x10a: {  	v34 =	vld [tilespmem:s25+$0xA320];
	v14 =	vadd.f32 v17, v61;
	v45 =	vmul.f32 v63, v42;
	v17 =	vadd.f32 v41, v20  }
0x10b: {  	v11 =	vadd.f32 v16, v11;
	v48 =	vmul.f32 v37, v44;
	v61 =	vbroadcast v1, $0xC;
	v37 =	vld [tilespmem:s25+$0x4360]  }
0x10c: {  	v22 =	vmul.f32 v53, v59;
	v35 =	vmul.f32 v50, v62;
	v50 =	vld [tilespmem:s25+$0x4340];
	v17 =	vadd.f32 v18, v17  }
0x10d: {  	v13 =	vpsel p0, v13, v21;
	v63 =	vbroadcast v4, $0xD;
	v4 =	vbroadcast v4, $0xF;
	v62 =	vld [tilespmem:s25+$0x6350]  }
0x10e: {  	v60 =	vld [tilespmem:s25+$0x4350];
	v33 =	vmul.f32 v56, v61;
	v14 =	vadd.f32 v35, v14;
	v16 =	vadd.f32 v45, v17  }
0x10f: {  	v32 =	vmax.f32 v28, v11;
	v44 =	vld [tilespmem:s25+$0x4370];
	v27 =	vmul.f32 v30, v63;
	v4 =	vmul.f32 v40, v4  }
0x110: {  	v35 =	vld [tilespmem:s25+$0x2360];
	v52 =	vmul.f32 v37, v47;
	v14 =	vadd.f32 v15, v14;
	v28 =	vmax.f32 v34, v16  }
0x111: {  	v53 =	vld [tilespmem:s25+$0x8360];
	v15 =	vadd.f32 v51, v48;
	v34 =	vbroadcast v3, $0xD;
	v3 =	vbroadcast v3, $0xF  }
0x112: {  	v12 =	vpsel p0, v12, v24;
	v48 =	vld [tilespmem:s25+$0x6360];
	v21 =	vmul.f32 v50, v57;
	v42 =	vmul.f32 v62, v36  }
0x113: {  	v50 =	vld [tilespmem:s25+$0x6370];
	v15 =	vadd.f32 v54, v15;
	v38 =	vmul.f32 v60, v34;
	v54 =	vbroadcast v2, $0xE  }
0x114: {  	v55 =	vld [tilespmem:s25+$0x8370];
	v3 =	vmul.f32 v44, v3;
	v2 =	vbroadcast v2, $0xF;
	v41 =	vadd.f32 v21, v58  }
0x115: {  	[tilespmem:s25+$0xA280] =	vst v5;
	v24 =	vld [tilespmem:s25+$0xA330];
	v49 =	vmul.f32 v35, v43;
	v58 =	vbroadcast v1, $0xE;
	v45 =	vadd.f32 v19, v15  }
0x116: {  	[tilespmem:s25+$0xA2A0] =	vst v7;
	v56 =	vld [tilespmem:s25+$0xA340];
	v1 =	vbroadcast v1, $0xF;
	v51 =	vadd.f32 v38, v27;
	v3 =	vadd.f32 v3, v4  }
0x117: {  	[tilespmem:s25+$0xA2C0] =	vst v9;
	v57 =	vld [tilespmem:s25+$0xA350];
	v5 =	vadd.f32 v22, v41;
	v7 =	vadd.f32 v52, v49;
	v9 =	vmul.f32 v48, v54  }
0x118: {  	[tilespmem:s25+$0xA2B0] =	vst v8;
	v59 =	vld [tilespmem:s25+$0xA360];
	v60 =	vmul.f32 v53, v58;
	v8 =	vadd.f32 v42, v51;
	v2 =	vmul.f32 v50, v2  }
0x119: {  	[tilespmem:s25+$0xA290] =	vst v6;
	v61 =	vld [tilespmem:s25+$0xA370];
	v1 =	vmul.f32 v55, v1;
	v5 =	vadd.f32 v33, v5;
	v7 =	vadd.f32 v9, v7  }
0x11a: {  	[tilespmem:s25+$0xA2D0] =	vst v10;
	v8 =	vadd.f32 v46, v8;
	v2 =	vadd.f32 v2, v3;
	v3 =	vmax.f32 v24, v45  }
0x11b: {  	[tilespmem:s25+$0xA2E0] =	vst v13;
	v3 =	vpsel p0, v45, v3;
	v62 =	vadd.f32 v60, v7;
	v63 =	vmax.f32 v56, v5  }
0x11c: {  	[tilespmem:s25+$0xA330] =	vst v3;
	v3 =	vpsel p0, v5, v63;
	v1 =	vadd.f32 v1, v2;
	v2 =	vmax.f32 v57, v8  }
0x11d: {  	v11 =	vpsel p0, v11, v32;
	[tilespmem:s25+$0xA340] =	vst v3;
	v2 =	vpsel p0, v8, v2;
	v3 =	vmax.f32 v59, v62  }
0x11e: {  	v25 =	vmax.f32 v25, v14;
	[tilespmem:s25+$0xA350] =	vst v2;
	v2 =	vpsel p0, v62, v3;
	v3 =	vmax.f32 v61, v1  }
0x11f: {  	[tilespmem:s25+$0xA2F0] =	vst v11;
	v16 =	vpsel p0, v16, v28;
	v14 =	vpsel p0, v14, v25;
	v1 =	vpsel p0, v1, v3;
	p0 =	sne.s32 s23, $0x7C00  }
.Ltmp1:
0x120: {  	[tilespmem:s25+$0xA300] =	vst v12;
	(pc) =	sbr.rel @p0 .LBB2_5-.Ltmp1, $4  }
0x121: {  	[tilespmem:s25+$0xA320] =	vst v16  }
0x122: {  	[tilespmem:s25+$0xA310] =	vst v14  }
0x123: {  	[tilespmem:s25+$0xA360] =	vst v2  }
0x124: {  	s24 =	sadd.s32 $0x10, s24;
	s23 =	sadd.s32 $0x400, s23;
	[tilespmem:s25+$0xA370] =	vst v1  }
0x125: {  	p0 =	sne.s32 s21, $0x5  }
0x126: {  	p1 =	sgt.u32 @!p0 s20, $0x17  }
0x127: {  	s0 =	simm.s32 @!p0 $0x20000;
	p1 =	por !p1, p0  }
0x128: {  	s2 =	sshll.u32 @!p0 s22, $0xA;
	s0 =	simm.s32 @p1 $0x0  }
0x129: {  	s21 =	simm.s32 @!p0 $0xA280;
	s20 =	sadd.s32 $0x1, s20;
	s0 =	sadd.s32 @!p0 s0, s8  }
0x12a: {  	p1 =	sne.s32 s20, $0x30;
	s0 =	sadd.s32 @!p0 s2, s0;
	s2 =	simm.s32 @!p0 $0x0  }
0x12b: {  	[hbm4b:s0+s2] =	stream.linear.scatter @!p0 [tilespmem:s21], [sflag:$0x2], $0x2000, $0x38;
	[tilespmem:$0xC280] =	vst v63  }
.Ltmp2:
0x12c: {  	_ = 	snop;
	(pc) =	sbr.rel @p1 .LBB2_2-.Ltmp2, $4  }
0x12d: {  	s0 =	simm.s32 @!p0 $0x2  }
0x12e: {  	_ =	swait.ge @!p0 [sflag:s0], $0x2000  }
0x12f: {  	[sflag:s0] =	ssyncset.done @!p0 $0x0  }
0x130: {  	[sflag:s0] =	ssyncadd.s32 @!p0 $0xFFFFE000  }
0x131: {  	s2 =	rddreg [dreg:$0x7]  }
0x132: {  	s0 =	rddreg [dreg:$0x6];
	s2 =	sadd.s32 $0x1, s2  }
0x133: {  	p0 =	sne.s32 s2, s0  }
.Ltmp3:
0x134: {  	_ = 	snop;
	(pc) =	sbr.rel @p0 .LBB2_1-.Ltmp3, $1  }
0x135: {  	_ =	sdelay $0x3  }
0x136: {  	_ =	sfence.sel $0x180000  }
0x137: {  	[bflag:$0x0] =	sbarrier.arrive $0xFFFF  }
0x138: {  	_ =	strace $0x9000004A  }
0x139: {  	s0 =	stileid.u32;
	[bflag:$0x2] =	sbarrier.arrive $0xFFFF  }
0x13a: {  	p0 =	sne.s32 s0, $0x0;
	s0 =	rddreg [dreg:$0x2]  }
0x13b: {  	s0 =	sadd.s32 @!p0 $0x100000, s0  }
0x13c: {  	[sflag:s0] =	ssyncadd.tile.s32 @!p0 $0x1;
	_ =	shalt  }
.Lfunc_end2:
_tile_overlayer_lowered:
.L_overlay_start_2:
0x13d: {  	(tag) =	ssettag $0x2  }
0x13e: {  	s0 =	rddreg [dreg:$0x0];
	s2 =	stileid.u32  }
0x13f: {  	s1 =	rddreg [dreg:$0x1];
	p0 =	sne.s32 s2, $0x0  }
0x140: {  	s3 =	rddreg [dreg:$0x2];
	[bflag:$0x3] =	sbarrier.arrive $0xFFFF;
	s2 =	simm.s32 @!p0 $0x1C02  }
0x141: {  	[timem:s3], [sflag:s2] =	dma.local @!p0 [hbm:s0], s1  }
0x142: {  	s0 =	simm.s32 @!p0 $0x2  }
0x143: {  	_ =	swait.ge @!p0 [sflag:s0], s1  }
0x144: {  	s1 =	ssub.s32 @!p0 $0x0, s1;
	[sflag:s0] =	ssyncset.done @!p0 $0x0  }
0x145: {  	[sflag:s0] =	ssyncadd.s32 @!p0 s1  }
0x146: {  	[bflag:$0x3] =	sbarrier.arrive $0xFFFF  }
0x147: {  	_ =	shalt  }

// kernel: sparse-core-data-format-call.cloned.1.call-start
scs
called_computation_lowered:
.L_overlay_start_0:
0x0: {  	s2 =	sld [smem:$0x3FD9]  }
0x1: {  	s3 =	sld [smem:$0x3FFE];
	_ =	sdelay $0x1  }
0x2: {  	s1 =	srdreg.scid  }
0x3: {  	s0 =	sand.u32 $0x1, s1  }
0x4: {  	s18 =	sshll.u32 s0, $0xA;
	s2 =	sadd.s32 s3, s2  }
0x5: {  	s2 =	sadd.s32 s2, s18  }
0x6: {  	[smem:$0x3FC0] =	sst s2  }
0x7: {  	_ = 	snop  }
0x8: {  	s2 =	sld [smem:$0x3FC9];
	(tm) =	ssettm $0x1  }
0x9: {  	s19 =	sld [smem:$0x3FFB];
	_ =	sdelay $0x3  }
0xa: {  	_ =	strace s19  }
0xb: {  	s3 =	sld [smem:$0x3FFC];
	_ =	sdelay $0x3  }
0xc: {  	_ =	strace s3  }
0xd: {  	s3 =	sld [smem:$0x3FFD];
	_ =	sdelay $0x3  }
0xe: {  	_ =	strace s3  }
0xf: {  	_ =	strace $0x8FFFFFFF  }
0x10: {  	s20 =	sld [smem:$0x3FDB];
	_ =	sdelay $0x1  }
0x11: {  	s4 =	simm.s32 $_scs_section_size  }
0x12: {  	s5 =	simm.s32 $_size__tile_overlayer_lowered;
	s6 =	simm.s32 $_tile_overlayer_lowered  }
0x13: {  	s23 =	simm.s32 $0x1BFF;
	s22 =	sshll.u32 s6, $0x1;
	s3 =	sadd.s32 s4, s20  }
0x14: {  	s7 =	simm.s32 $0x0;
	s21 =	sshll.u32 s5, $0x1;
	s5 =	sadd.s32 s22, s3  }
0x15: {  	[timem:s7], [sflag:s23] =	dma.local [hbm:s5], s21  }
0x16: {  	_ =	swait.ge [sflag:s23], s21  }
0x17: {  	s4 =	ssub.s32 $0x0, s21;
	[sflag:s23] =	ssyncset.done $0x0  }
0x18: {  	[sflag:s23] =	ssyncadd.s32 s4;
	_ =	sdelay $0x1  }
0x19: {  	s24 =	simm.s32 $0x1B8B  }
0x1a: {  	_ =	swait.ge [sflag:s24], $0x1  }
0x1b: {  	[sflag:s24] =	ssyncset.done $0x0  }
0x1c: {  	s26 =	simm.s32 $0x1B8E;
	s25 =	sld [smem:$0x3FFE];
	[sflag:s24] =	ssyncadd.s32 $0xFFFFFFFF  }
0x1d: {  	s27 =	simm.s32 $execute0_lowered;
	[smem:$0x3FD2] =	sst s26  }
0x1e: {  	s5 =	sshll.u32 s27, $0x1;
	_ =	strace $0x80000046;
	[dreg:$0x1] =	wrdreg $0xFFFFFFFF  }
0x1f: {  	s28 =	simm.s32 $_size_execute0_lowered;
	s3 =	sadd.s32 s3, s5;
	[dreg:$0x0] =	wrdreg $0x0  }
0x20: {  	s5 =	sshll.u32 s28, $0x1;
	[dreg:$0x2] =	wrdreg s3  }
0x21: {  	[dreg:$0x3] =	wrdreg s5  }
0x22: {  	[dreg:$0x4] =	wrdreg $0xC0  }
0x23: {  	_ =	task [dreg:s7], $0x5FFFF  }
0x24: {  	[dreg:$0x1] =	wrdreg $0xFFFFFFFF  }
0x25: {  	[dreg:$0x0] =	wrdreg $0x60  }
0x26: {  	[dreg:$0x2] =	wrdreg s2  }
0x27: {  	[dreg:$0x3] =	wrdreg s25  }
0x28: {  	[dreg:$0x4] =	wrdreg $0x9  }
0x29: {  	_ =	task.clear_ibuf [dreg:s7], $0x5FFFF;
	_ =	strace $0x90000046  }
0x2a: {  	s29 =	simm.s32 $0x9;
	_ =	strace $0x80000048  }
0x2b: {  	_ =	swait.ge [sflag:s29], $0x1  }
0x2c: {  	[sflag:s29] =	ssyncadd.s32 $0xFFFFFFFF  }
0x2d: {  	_ =	strace $0x90000048  }
0x2e: {  	_ =	sfence  }
0x2f: {  	s30 =	sld [smem:$0x0];
	_ =	sdelay $0x2  }
0x30: {  	s31 =	sshll.u32 s1, $0xD;
	s1 =	sshrl.u32 s1, $0x2  }
0x31: {  	s3 =	sand.u32 $0x4000, s31;
	s1 =	sadd.s32 s1, s30  }
0x32: {  	s0 =	sor.u32 s3, s0;
	s1 =	sshll.u32 s1, $0x11  }
0x33: {  	s0 =	sor.u32 s1, s0  }
0x34: {  	s0 =	sadd.s32 $0x8F2B, s0  }
0x35: {  	[sflag:s0] =	ssyncadd.remote.s32 $0x1  }
0x36: {  	_ =	sfence.sel $0xFFFF  }
0x37: {  	[dreg:$0x0] =	wrdreg $0xFFFFFFFF;
	(pc) =	sbr.abs _section_cstart, $3  }
0x38: {  	[dreg:$0x1] =	wrdreg $0xFFFFFFFF  }
0x39: {  	_ =	task.clear_ibuf [dreg:s7], $0x2FFFF;
	_ =	strace $0x9FFFFFFF  }
0x3a: {  	(tm) =	ssettm $0x7FFFFFFF  }
0x3b: {  	_ =	shalt  }
tec
execute0_lowered:
.L_overlay_start_1:
0x0: {  	(tag) =	ssettag $0x1  }
0x1: {  	s4 =	rddreg [dreg:$0x1];
	s0 =	stileid.u32;
	_ =	strace $0x80000047  }
0x2: {  	s5 =	srdreg.scid;
	s8 =	simm.s32 $0x2;
	s21 =	simm.s32 $0x0  }
0x3: {  	p0 =	por $0x0, $0x0;
	s23 =	simm.s32 $0x0;
	s22 =	simm.s32 $0x0  }
0x4: {  	s24 =	simm.s32 $0x0;
	s25 =	simm.s32 $0x0;
	s10 =	simm.s32 $0x0  }
0x5: {  	s11 =	simm.s32 $0x0;
	s12 =	simm.s32 $0x0;
	s18 =	simm.s32 $0x0  }
0x6: {  	s14 =	simm.s32 $0x0;
	s15 =	simm.s32 $0x0;
	s17 =	simm.s32 $0x0  }
0x7: {  	s2 =	simm.s32 $0x0;
	s20 =	simm.s32 $0x0;
	s3 =	sand.u32 $0x1, s0  }
0x8: {  	s5 =	sshll.u32 s5, $0x4;
	s1 =	sadd.s32 $0x2200, s4;
	s6 =	ssub.s32 $0x2, s3  }
.Ltmp0:
0x9: {  	s7 =	sshrl.u32 s6, $0x1;
	s6 =	sand.u32 $0x1, s6;
	(pc) =	sbr.rel .LBB1_1-.Ltmp0, $4  }
0xa: {  	[dreg:$0x3] =	wrdreg s1;
	s5 =	sand.u32 $0x10, s5;
	s6 =	sadd.s32 s6, s7  }
0xb: {  	s31 =	sor.u32 s0, s5;
	s5 =	simm.s32 $0x1;
	s6 =	smul.u32 $0xA8, s6  }
0xc: {  	s19 =	smov.u32 s3;
	s7 =	sshrl.u32 s31, $0x1;
	[sflag:s5] =	ssyncpa.u1 $0x0  }
0xd: {  	[sflag:s8] =	ssyncpa.u1 $0x0;
	s16 =	smov.u32 s7;
	s8 =	sor.u32 $0x1, s6  }
.LBB1_4:
0xe: {  	v5 =	vld [tilespmem:s27+$0xFFFFFFD0]  }
0xf: {  	v58 =	vld [tilespmem:s27+$0xFFFFFFE0]  }
0x10: {  	v59 =	vld [tilespmem:s27+$0xFFFFFFF0]  }
0x11: {  	s0 =	sshll.u32 s10, $0x7;
	v60 =	vld [tilespmem:s27+$0x0]  }
0x12: {  	s31 =	sshll.u32 s12, $0x3;
	p1 =	sgt.s32 s14, $0x1;
	s9 =	sshra.s32 s14, $0x1F;
	v61 =	vld [tilespmem:s27+$0x10]  }
0x13: {  	s13 =	smov.u32 s18;
	s4 =	sshra.s32 s18, $0x1F;
	p2 =	sgt.s32 s11, $0xDF;
	v62 =	vld [tilespmem:s27+$0x20]  }
0x14: {  	s30 =	sshra.s32 s30, $0x2;
	v63 =	vld [tilespmem:s27+$0xFFFFFFC0];
	s27 =	sand.u32 $0x7, s12;
	s1 =	sand.u32 $0xFFFFFC00, s0  }
0x15: {  	s31 =	sand.u32 $0xFFFFFC00, s31;
	s0 =	sand.u32 $0x380, s0;
	s9 =	sand.u32 s9, s14  }
0x16: {  	s4 =	sand.u32 s4, s18;
	s29 =	sadd.s32 s30, s29;
	s30 =	smov.u32 s10  }
0x17: {  	s1 =	sadd.s32 s31, s1;
	s31 =	smov.u32 s14;
	s9 =	sxor.u32 $0xFFFFFFFF, s9  }
0x18: {  	s31 =	simm.s32 @!p1 $0x1;
	p1 =	sgt.s32 s18, $0x5;
	s0 =	sor.u32 s0, s1  }
0x19: {  	s1 =	smov.u32 s11;
	s9 =	sadd.s32 s9, s31;
	s13 =	simm.s32 @!p1 $0x5  }
0x1a: {  	s31 =	sshra.s32 s11, $0x1F;
	s1 =	simm.s32 @!p2 $0xDF;
	p2 =	sgt.s32 s12, $0x70  }
0x1b: {  	p1 =	sgt.s32 s9, $0x0;
	s9 =	ssub.s32 $0x1, s9;
	s4 =	ssub.s32 s13, s4  }
0x1c: {  	s0 =	sshrl.u32 s0, $0x7;
	s9 =	simm.s32 @p1 $0x0;
	s13 =	sadd.s32 $0xFFFFFFFB, s4  }
0x1d: {  	s4 =	ssub.s32 $0x6, s4;
	p1 =	sgt.s32 s13, $0x0;
	s13 =	sand.u32 s31, s11  }
0x1e: {  	[tilespmem:s28+$0x440 ss:$0x11] =	vst.msk $0xffff, v4;
	s31 =	sshra.s32 s12, $0x1F;
	s1 =	ssub.s32 s1, s13;
	s13 =	smov.u32 s12  }
0x1f: {  	[tilespmem:s28+$0x550 ss:$0x11] =	vst.msk $0xffff, v3;
	s4 =	simm.s32 @p1 $0x0;
	s31 =	sand.u32 s31, s12;
	s13 =	simm.s32 @!p2 $0x70  }
0x20: {  	[tilespmem:s28+$0x660 ss:$0x11] =	vst.msk $0xffff, v2;
	s4 =	smul.u32 s9, s4;
	s9 =	ssub.s32 s13, s31;
	s31 =	sadd.s32 $0xFFFFFF21, s1  }
0x21: {  	[tilespmem:s28+$0x0 ss:$0x11] =	vst.msk $0xffff, v1;
	s1 =	ssub.s32 $0xE0, s1;
	p1 =	sgt.s32 s31, $0x0;
	s31 =	sadd.s32 $0xFFFFFF90, s9  }
0x22: {  	[tilespmem:s29+$0x770 ss:$0x11] =	vst.msk $0xffff, v0;
	s9 =	ssub.s32 $0x80, s9;
	p2 =	sgt.s32 s31, $0xF;
	s31 =	smulhi.u32 $0x2492493, s0  }
0x23: {  	[tilespmem:s29+$0x110 ss:$0x11] =	vst.msk $0xffff, v5;
	s1 =	simm.s32 @p1 $0x0;
	p1 =	sgt.s32 s10, $0x60;
	s9 =	simm.s32 @p2 $0x0  }
0x24: {  	[tilespmem:s29+$0x220 ss:$0x11] =	vst.msk $0xffff, v58;
	s13 =	sshrl.u32 s31, $0x1;
	s4 =	smul.u32 s9, s4;
	s31 =	sshra.s32 s10, $0x1F  }
0x25: {  	[tilespmem:s29+$0x330 ss:$0x11] =	vst.msk $0xffff, v59;
	s30 =	simm.s32 @!p1 $0x60;
	s13 =	smul.u32 $0xE0, s13;
	s9 =	sand.u32 s31, s10  }
0x26: {  	s28 =	rddreg [dreg:$0x3];
	s31 =	smul.u32 $0xC4000, s18;
	s9 =	ssub.s32 s30, s9  }
0x27: {  	s0 =	ssub.s32 s0, s13;
	s30 =	sadd.s32 $0xFFFFFFA0, s9;
	s13 =	smul.u32 $0x498000, s14  }
0x28: {  	s1 =	smul.u32 s1, s4;
	s4 =	ssub.s32 $0xE0, s9;
	p1 =	sgt.s32 s30, $0x7F  }
0x29: {  	s30 =	smul.u32 $0xE00, s11;
	s4 =	simm.s32 @p1 $0x0;
	s13 =	sadd.s32 s28, s13  }
0x2a: {  	[tilespmem:s29+$0x440 ss:$0x11] =	vst.msk $0xffff, v60;
	s28 =	sshll.u32 s27, $0x12;
	s31 =	sadd.s32 s31, s13;
	s13 =	sshrl.u32 s12, $0x3  }
0x2b: {  	[tilespmem:s29+$0x550 ss:$0x11] =	vst.msk $0xffff, v61;
	s1 =	smul.u32 s4, s1;
	s9 =	sand.u32 $0xF, s13;
	s4 =	sadd.s32 s30, s31  }
0x2c: {  	[tilespmem:s29+$0x660 ss:$0x11] =	vst.msk $0xffff, v62;
	s0 =	sshll.u32 s0, $0x4;
	s30 =	sor.u32 $0x10, s28;
	s4 =	sadd.s32 s9, s4  }
0x2d: {  	[tilespmem:s29+$0x0 ss:$0x11] =	vst.msk $0xffff, v63;
	s31 =	simm.s32 $0x80;
	s1 =	sand.u32 $0x3FFFFFFF, s1;
	s0 =	sadd.s32 s0, s4  }
0x2e: {  	[hbm4b:s0+s30] =	stream.strided.scatter [tilespmem:s26], [sflag:$0x2], s1, s31, s30, $0x8;
	[tilespmem:$0x2100] =	vst v63  }
.LBB1_5:
0x2f: {  	p1 =	slt.u32 s20, $0x2;
	s1 =	smov.u32 s25  }
0x30: {  	s9 =	smov.u32 s23;
	s26 =	sadd.s32 $0x80, s15;
	s27 =	smov.u32 s16  }
0x31: {  	p0 =	por !p0, !p0;
	p2 =	sgt.s32 @!p1 s25, $0x1;
	s0 =	sshra.s32 @!p1 s25, $0x1F  }
0x32: {  	p3 =	sgt.s32 @!p1 s24, $0x5;
	s4 =	sshra.s32 @!p1 s24, $0x1F;
	s13 =	sshra.s32 @!p1 s23, $0x1F  }
0x33: {  	p2 =	por !p2, p1;
	s0 =	sand.u32 @!p1 s0, s25;
	p3 =	por !p3, p1  }
0x34: {  	s4 =	sand.u32 @!p1 s4, s24;
	s1 =	simm.s32 @p2 $0x1;
	s0 =	sxor.u32 @!p1 $0xFFFFFFFF, s0  }
0x35: {  	s25 =	smov.u32 s14;
	s14 =	smov.u32 s19;
	s0 =	sadd.s32 @!p1 s0, s1  }
0x36: {  	s1 =	smov.u32 s24;
	s24 =	smov.u32 s18;
	p2 =	sgt.s32 @!p1 s0, $0x0  }
0x37: {  	s0 =	ssub.s32 @!p1 $0x1, s0;
	s1 =	simm.s32 @p3 $0x5;
	p2 =	por !p2, p1  }
0x38: {  	s18 =	smov.u32 s2;
	s1 =	ssub.s32 @!p1 s1, s4;
	s0 =	simm.s32 @!p2 $0x0  }
0x39: {  	p2 =	sgt.s32 @!p1 s23, $0xDF;
	s4 =	sadd.s32 @!p1 $0xFFFFFFFB, s1;
	s1 =	ssub.s32 @!p1 $0x6, s1  }
0x3a: {  	p2 =	por !p2, p1;
	p3 =	sgt.s32 @!p1 s4, $0x0;
	s4 =	sand.u32 @!p1 s13, s23  }
0x3b: {  	s13 =	smov.u32 s22;
	s9 =	simm.s32 @p2 $0xDF;
	p2 =	por !p3, p1  }
0x3c: {  	s23 =	sshra.s32 @!p1 s22, $0x1F;
	s4 =	ssub.s32 @!p1 s9, s4;
	s1 =	simm.s32 @!p2 $0x0  }
0x3d: {  	p2 =	sgt.s32 @!p1 s21, $0x60;
	s9 =	sadd.s32 @!p1 $0xFFFFFF21, s4;
	s0 =	smul.u32 @!p1 s0, s1  }
0x3e: {  	p2 =	por !p2, p1;
	s1 =	smov.u32 s21;
	p3 =	sgt.s32 @!p1 s9, $0x0  }
0x3f: {  	s1 =	simm.s32 @p2 $0x60;
	p2 =	sgt.s32 @!p1 s22, $0x70;
	s9 =	sshra.s32 @!p1 s21, $0x1F  }
0x40: {  	s4 =	ssub.s32 @!p1 $0xE0, s4;
	p2 =	por !p2, p1;
	s9 =	sand.u32 @!p1 s9, s21  }
0x41: {  	s21 =	sand.u32 @!p1 s23, s22;
	s23 =	smov.u32 s11;
	s13 =	simm.s32 @p2 $0x70  }
0x42: {  	p2 =	por !p3, p1;
	s1 =	ssub.s32 @!p1 s1, s9;
	s9 =	ssub.s32 @!p1 s13, s21  }
0x43: {  	s4 =	simm.s32 @!p2 $0x0;
	s13 =	sadd.s32 @!p1 $0xFFFFFFA0, s1;
	s21 =	sadd.s32 @!p1 $0xFFFFFF90, s9  }
0x44: {  	s9 =	ssub.s32 @!p1 $0x80, s9;
	p4 =	sgt.s32 @!p1 s13, $0x7F;
	p2 =	sgt.s32 @!p1 s21, $0xF  }
0x45: {  	s21 =	sadd.s32 $0x10, s16;
	p3 =	por !p2, p1;
	p2 =	sgt.s32 s26, $0xDF  }
0x46: {  	s13 =	smov.u32 s17;
	s9 =	simm.s32 @!p3 $0x0;
	s27 =	smov.u32 @p2 s21  }
0x47: {  	s0 =	smul.u32 @!p1 s9, s0;
	p3 =	sgt.s32 s27, $0xDF;
	s9 =	sadd.s32 $0x10, s17  }
0x48: {  	s1 =	ssub.s32 @!p1 $0xE0, s1;
	p4 =	por !p4, p1;
	s13 =	smov.u32 @p3 s9  }
0x49: {  	s0 =	smul.u32 @!p1 s4, s0;
	p5 =	sgt.s32 s13, $0xF;
	s4 =	simm.s32 $0x1  }
0x4a: {  	s22 =	smov.u32 s12;
	s1 =	simm.s32 @!p4 $0x0;
	s4 =	simm.s32 @!p5 $0x0  }
0x4b: {  	s26 =	simm.s32 @p2 $0x0;
	s0 =	smul.u32 @!p1 s1, s0;
	s1 =	sadd.s32 s4, s2  }
0x4c: {  	s9 =	smov.u32 s19;
	s4 =	sadd.s32 $0x2, s19;
	p2 =	sgt.s32 s1, $0x5  }
0x4d: {  	s11 =	smov.u32 s16;
	s12 =	smov.u32 s17;
	s9 =	smov.u32 @p2 s4  }
0x4e: {  	s21 =	smov.u32 s10;
	s1 =	simm.s32 @p2 $0x0;
	p2 =	sgt.s32 s9, $0x1  }
0x4f: {  	s10 =	smov.u32 s15;
	s9 =	smov.u32 @p2 s3;
	p2 =	sne.s32 s20, s8  }
.Ltmp1:
0x50: {  	s15 =	smov.u32 s26;
	s27 =	smov.u32 @p3 s7;
	(pc) =	sbr.rel @!p2 .LBB1_6-.Ltmp1, $4  }
0x51: {  	s13 =	simm.s32 @p5 $0x0;
	s0 =	sand.u32 @!p1 $0x3FFFFFFF, s0;
	s4 =	simm.s32 @!p1 $0x2  }
0x52: {  	s16 =	smov.u32 s27;
	s17 =	smov.u32 s13;
	_ =	swait.ge @!p1 [sflag:s4], s0  }
0x53: {  	s0 =	ssub.s32 @!p1 $0x0, s0;
	s2 =	smov.u32 s1;
	[sflag:s4] =	ssyncset.done @!p1 $0x0  }
0x54: {  	s20 =	sadd.s32 $0x1, s20;
	[sflag:s4] =	ssyncadd.s32 @!p1 s0;
	s19 =	smov.u32 s9  }
.LBB1_1:
0x55: {  	p1 =	sge.u32 s20, s6  }
0x56: {  	s26 =	sshll.u32 @!p1 s16, $0x8;
	s27 =	sshll.u32 @!p1 s15, $0x3  }
0x57: {  	s28 =	sshll.u32 @!p1 s16, $0x7;
	s26 =	sand.u32 @!p1 $0xFFFFF800, s26;
	s27 =	sand.u32 @!p1 $0xFFFFFC00, s27  }
0x58: {  	s26 =	sadd.s32 @!p1 s26, s27;
	s27 =	sand.u32 @!p1 $0x300, s28  }
0x59: {  	s1 =	rddreg [dreg:$0x0];
	s30 =	smul.u32 @!p1 $0xA8000, s19;
	s26 =	sor.u32 @!p1 s27, s26  }
0x5a: {  	s29 =	sxor.u32 @!p1 $0xFFFFFFFF, s20;
	s0 =	smul.u32 @!p1 $0x1C000, s2;
	s26 =	sshrl.u32 @!p1 s26, $0x8  }
0x5b: {  	s31 =	sand.u32 @!p1 $0x78, s15;
	s28 =	sand.u32 @!p1 $0x80, s28;
	s27 =	smulhi.u32 @!p1 $0x124924A, s26  }
0x5c: {  	s30 =	sadd.s32 @!p1 s1, s30;
	s28 =	sor.u32 @!p1 s31, s28;
	s31 =	smul.u32 @!p1 $0x1C00, s17  }
0x5d: {  	s29 =	sshll.u32 @!p1 s29, $0xB;
	s0 =	sadd.s32 @!p1 s0, s30;
	s27 =	smul.u32 @!p1 $0xE0, s27  }
0x5e: {  	s28 =	sshrl.u32 @!p1 s28, $0x3;
	s0 =	sadd.s32 @!p1 s31, s0;
	s31 =	sadd.s32 $0xFFFFFFFF, s20  }
0x5f: {  	s26 =	ssub.s32 @!p1 s26, s27;
	s27 =	sand.u32 @!p1 $0x800, s29;
	s29 =	sand.u32 @!p1 $0x7, s15  }
0x60: {  	s0 =	sadd.s32 @!p1 s28, s0;
	s26 =	sshll.u32 @!p1 s26, $0x5;
	s28 =	sshll.u32 @!p1 s29, $0x12  }
0x61: {  	s0 =	sadd.s32 @!p1 s26, s0;
	s26 =	sor.u32 @!p1 $0x80, s28;
	s28 =	simm.s32 @!p1 $0xE000  }
0x62: {  	[tilespmem:s27], [sflag:$0x1] =	stream.strided.gather @!p1 [hbm4b:s0+s26], $0x800, s28, s26, $0x38;
	[tilespmem:$0x2100] =	vst v63  }
0x63: {  	p1 =	sge.u32 s31, s6  }
.Ltmp2:
0x64: {  	_ = 	snop;
	(pc) =	sbr.rel @p1 .LBB1_5-.Ltmp2, $1  }
0x65: {  	_ =	sdelay $0x3  }
0x66: {  	s0 =	simm.s32 $0x1  }
0x67: {  	_ =	swait.ge [sflag:s5], $0x800;
	s0 =	simm.s32 @!p0 $0x0  }
0x68: {  	[sflag:s5] =	ssyncset.done $0x0;
	s26 =	sshll.u32 s0, $0xB  }
0x69: {  	[sflag:s5] =	ssyncadd.s32 $0xFFFFF800;
	s26 =	sor.u32 $0x40, s26  }
0x6a: {  	s0 =	smul.u32 $0x2200, s0;
	v0 =	vld [tilespmem:s26+$0x30]  }
0x6b: {  	v1 =	vld [tilespmem:s26+$0xFFFFFFD0]  }
0x6c: {  	s0 =	sshrl.u32 s0, $0x2;
	v5 =	vld [tilespmem:s26+$0xFFFFFFE0]  }
0x6d: {  	v6 =	vld [tilespmem:s26+$0xFFFFFFF0];
	s29 =	sor.u32 $0x1000, s0  }
0x6e: {  	s13 =	sand.u32 $0x1, s20;
	v4 =	vld [tilespmem:s26+$0x0];
	s28 =	sadd.s32 $0x0, s29  }
0x6f: {  	v3 =	vld [tilespmem:s26+$0x10];
	s0 =	smul.u32 $0x2200, s13;
	[tilespmem:s28+$0x770 ss:$0x11] =	vst.msk $0xffff, v0  }
0x70: {  	v2 =	vld [tilespmem:s26+$0x20];
	[tilespmem:s28+$0x110 ss:$0x11] =	vst.msk $0xffff, v1  }
0x71: {  	s27 =	sadd.s32 $0x80, s26;
	s0 =	sshrl.u32 s0, $0x2;
	v1 =	vld [tilespmem:s26+$0xFFFFFFC0];
	[tilespmem:s28+$0x220 ss:$0x11] =	vst.msk $0xffff, v5  }
0x72: {  	s30 =	simm.s32 $0x4;
	s31 =	simm.s32 $0x8;
	s26 =	sor.u32 $0x1000, s0;
	v0 =	vld [tilespmem:s27+$0x30];
	[tilespmem:s28+$0x330 ss:$0x11] =	vst.msk $0xffff, v6  }
.LBB1_3:
0x73: {  	p1 =	sne.s32 s31, $0x3C;
	v5 =	vld [tilespmem:s27+$0xFFFFFFD0];
	[tilespmem:s28+$0x440 ss:$0x11] =	vst.msk $0xffff, v4  }
0x74: {  	v6 =	vld [tilespmem:s27+$0xFFFFFFE0];
	[tilespmem:s28+$0x550 ss:$0x11] =	vst.msk $0xffff, v3  }
0x75: {  	s0 =	sshra.s32 s30, $0x2;
	s30 =	smov.u32 s31;
	v7 =	vld [tilespmem:s27+$0xFFFFFFF0];
	[tilespmem:s28+$0x660 ss:$0x11] =	vst.msk $0xffff, v2  }
.Ltmp3:
0x76: {  	v4 =	vld [tilespmem:s27+$0x0];
	[tilespmem:s28+$0x0 ss:$0x11] =	vst.msk $0xffff, v1;
	s28 =	sadd.s32 s0, s29;
	(pc) =	sbr.rel @p1 .LBB1_3-.Ltmp3, $4  }
0x77: {  	v3 =	vld [tilespmem:s27+$0x10];
	[tilespmem:s28+$0x770 ss:$0x11] =	vst.msk $0xffff, v0  }
0x78: {  	[tilespmem:s28+$0x110 ss:$0x11] =	vst.msk $0xffff, v5;
	v2 =	vld [tilespmem:s27+$0x20]  }
0x79: {  	v1 =	vld [tilespmem:s27+$0xFFFFFFC0];
	[tilespmem:s28+$0x220 ss:$0x11] =	vst.msk $0xffff, v6;
	s27 =	sadd.s32 $0x80, s27  }
0x7a: {  	s31 =	sadd.s32 $0x4, s31;
	v0 =	vld [tilespmem:s27+$0x30];
	[tilespmem:s28+$0x330 ss:$0x11] =	vst.msk $0xffff, v7  }
.Ltmp4:
0x7b: {  	_ = 	snop;
	(pc) =	sbr.rel .LBB1_4-.Ltmp4, $1  }
0x7c: {  	_ =	sdelay $0x3  }
.LBB1_6:
0x7d: {  	_ =	sfence.sel $0x180000  }
0x7e: {  	s0 =	simm.s32 $0x1;
	[bflag:$0x0] =	sbarrier.arrive $0xFFFF  }
0x7f: {  	s30 =	simm.s32 $0x2;
	[sflag:s0] =	ssyncpa.u1 $0x1  }
0x80: {  	[sflag:s30] =	ssyncpa.u1 $0x1  }
0x81: {  	_ =	strace $0x90000047  }
0x82: {  	s31 =	stileid.u32;
	[bflag:$0x2] =	sbarrier.arrive $0xFFFF  }
0x83: {  	p0 =	sne.s32 s31, $0x0;
	s0 =	rddreg [dreg:$0x2]  }
0x84: {  	s0 =	sadd.s32 @!p0 $0x100000, s0  }
0x85: {  	[sflag:s0] =	ssyncadd.tile.s32 @!p0 $0x1;
	_ =	shalt  }
.Lfunc_end1:
_tile_overlayer_lowered:
.L_overlay_start_2:
0x86: {  	(tag) =	ssettag $0x2  }
0x87: {  	s0 =	rddreg [dreg:$0x0];
	s2 =	stileid.u32  }
0x88: {  	s1 =	rddreg [dreg:$0x1];
	p0 =	sne.s32 s2, $0x0  }
0x89: {  	s3 =	rddreg [dreg:$0x2];
	[bflag:$0x3] =	sbarrier.arrive $0xFFFF;
	s2 =	simm.s32 @!p0 $0x1C01  }
0x8a: {  	[timem:s3], [sflag:s2] =	dma.local @!p0 [hbm:s0], s1  }
0x8b: {  	s0 =	simm.s32 @!p0 $0x1  }
0x8c: {  	_ =	swait.ge @!p0 [sflag:s0], s1  }
0x8d: {  	s1 =	ssub.s32 @!p0 $0x0, s1;
	[sflag:s0] =	ssyncset.done @!p0 $0x0  }
0x8e: {  	[sflag:s0] =	ssyncadd.s32 @!p0 s1  }
0x8f: {  	[bflag:$0x3] =	sbarrier.arrive $0xFFFF  }
0x90: {  	_ =	shalt  }

</sc_bundles>
